<compile_context>
chip_gen: v7x
topology: tpu7x:2x2x1
jax: 0.10.2.dev20260603
libtpu: 0.0.44.dev20260713+nightly
codegen_flags: <defaults>
</compile_context>

<pallas_src>
import functools

import jax
import jax.numpy as jnp
from jax import lax
from jax.experimental import pallas as pl
from jax.experimental.pallas import tpu as pltpu
from jax.experimental.pallas import tpu_sc as plsc

NC = 2
NS = 16
LW = 16

_SC_PARAMS = pltpu.CompilerParams(use_tc_tiling_on_sc=False)



def _prep_body(embed, x, w1a, w1b, b1, wg, nz, rowb, colb,
               u, v, xw, nl, key, rkey, *, n_nodes):
    u[...] = jnp.dot(embed[...], w1a[...],
                     preferred_element_type=jnp.float32) + b1[...]
    v[...] = jnp.dot(embed[...], w1b[...], preferred_element_type=jnp.float32)
    xw[...] = jnp.dot(x[...], wg[...], preferred_element_type=jnp.float32)
    z = jnp.clip(nz[...], 1e-6, 1.0 - 1e-6)
    nl[...] = jnp.log(z) - jnp.log(1.0 - z)
    key[...] = rowb[...] * n_nodes + colb[...]
    rkey[...] = colb[...] * n_nodes + rowb[...]


def _gate_body(b2s, tmps, g1, g2, nl2, w2, o, *, br):
    i = pl.program_id(0)
    h = jnp.maximum(g1[...] + g2[...], 0.0)
    la = jnp.dot(h, w2[...], preferred_element_type=jnp.float32)
    la2 = la.reshape(br, 128)
    sl = pl.ds(i * br, br)
    o[sl, :] = jax.nn.sigmoid((nl2[sl, :] + la2 + b2s[0, 0]) / tmps[0, 0])


def _scale_body(v2d, xwc, z):
    v = v2d[...].reshape(-1, 1)
    z[...] = v * xwc[...]


def _softmax_body(outp, res):
    o = outp[0] + outp[1]
    m = jnp.max(o, axis=0, keepdims=True)
    e = jnp.exp(o - m)
    res[...] = e / jnp.sum(e, axis=0, keepdims=True)



def _tiled(epw, body):
    floor = (epw // LW) * LW
    pl.loop(0, floor, step=LW)(body)
    if epw % LW:
        body(epw - LW)


def _sc_gather_body(u_h, v_h, xw_h, row_h, col_h, key_h,
                    g1_h, g2_h, xwc_h, t_h,
                    idx_v, buf_v, buf16_v, kv, dv, sem, sem2, *, epw, ch):
    wid = lax.axis_index("s") * NC + lax.axis_index("c")
    base = wid * epw

    pltpu.sync_copy(key_h.at[pl.ds(base, epw)], kv)

    def _ids(i):
        dv[pl.ds(i, LW)] = lax.iota(jnp.int32, LW) + (base + i)

    _tiled(epw, _ids)
    idcp = pltpu.async_copy(dv, t_h.at[kv], sem2)

    @pl.loop(0, epw, step=ch)
    def _(off):
        b = base + off
        pltpu.sync_copy(row_h.at[pl.ds(b, ch)], idx_v)
        pltpu.async_copy(u_h.at[idx_v], buf_v, sem).wait()
        pltpu.sync_copy(buf_v, g1_h.at[pl.ds(b, ch)])
        pltpu.sync_copy(col_h.at[pl.ds(b, ch)], idx_v)
        pltpu.async_copy(v_h.at[idx_v], buf_v, sem).wait()
        pltpu.sync_copy(buf_v, g2_h.at[pl.ds(b, ch)])
        pltpu.async_copy(xw_h.at[idx_v], buf16_v, sem).wait()
        pltpu.sync_copy(buf16_v, xwc_h.at[pl.ds(b, ch)])

    idcp.wait()


def _sc_wp_body(t_h, key_h, rkey_h, gate_h, z_h,
                wb_out, cbm_out, part_out,
                kv, rv, gv, wb, g2b, cb, cbm, kgb, s_sh, sem,
                *, epw, n_edges):
    core = lax.axis_index("c")
    sid = lax.axis_index("s")
    wid = sid * NC + core
    base = wid * epw
    rps = n_edges // NS
    r0 = sid * rps

    pltpu.sync_copy(z_h.at[pl.ds(r0, rps)], s_sh.at[pl.ds(r0, rps)])

    pltpu.sync_copy(key_h.at[pl.ds(base, epw)], kv)
    pltpu.sync_copy(rkey_h.at[pl.ds(base, epw)], rv)
    pltpu.sync_copy(gate_h.at[pl.ds(base, epw)], gv)

    pltpu.sync_copy(t_h.at[kv], wb)
    pltpu.sync_copy(t_h.at[rv], g2b)

    def _clamp(i):
        s = pl.ds(i, LW)
        cb[s] = jnp.minimum(jnp.maximum(g2b[s], 0), n_edges - 1)

    _tiled(epw, _clamp)
    pltpu.sync_copy(key_h.at[cb], kgb)

    def _validate(i):
        s = pl.ds(i, LW)
        valid = (g2b[s] == cb[s]) & (kgb[s] == rv[s])
        cbm[s] = jnp.where(valid, cb[s], -1)

    _tiled(epw, _validate)

    plsc.subcore_barrier()
    pltpu.sync_copy(gv, s_sh.at[wb], add=True)
    plsc.subcore_barrier()

    pltpu.sync_copy(s_sh.at[pl.ds(r0, rps)], part_out.at[core, pl.ds(r0, rps)])
    pltpu.sync_copy(wb, wb_out.at[pl.ds(base, epw)])
    pltpu.sync_copy(cbm, cbm_out.at[pl.ds(base, epw)])


def _sc_vals2_body(part_h, key_h, rkey_h, wb_h, cbm_h, vals_h,
                   kv, rv, wb, cbm, cc, f1, f2, vv, b0, b1, s_sh, sem,
                   *, epw, n_edges):
    core = lax.axis_index("c")
    sid = lax.axis_index("s")
    wid = sid * NC + core
    base = wid * epw
    rps = n_edges // NS
    r0 = sid * rps

    pltpu.sync_copy(part_h.at[0, pl.ds(r0, rps)], b0)
    pltpu.sync_copy(part_h.at[1, pl.ds(r0, rps)], b1)

    @pl.loop(0, rps, step=LW)
    def _(i):
        s = pl.ds(i, LW)
        b0[s] = b0[s] + b1[s]

    pltpu.sync_copy(b0, s_sh.at[pl.ds(r0, rps)])
    plsc.subcore_barrier()

    pltpu.sync_copy(key_h.at[pl.ds(base, epw)], kv)
    pltpu.sync_copy(rkey_h.at[pl.ds(base, epw)], rv)
    pltpu.sync_copy(wb_h.at[pl.ds(base, epw)], wb)
    pltpu.sync_copy(cbm_h.at[pl.ds(base, epw)], cbm)

    pltpu.sync_copy(s_sh.at[wb], f1)

    def _clamp(i):
        s = pl.ds(i, LW)
        cc[s] = jnp.maximum(cbm[s], 0)

    _tiled(epw, _clamp)
    pltpu.sync_copy(s_sh.at[cc], f2)

    def _final(i):
        s = pl.ds(i, LW)
        mcr = jnp.where(cbm[s] >= 0, f2[s], 0.0)
        val = 0.5 * (f1[s] + mcr)
        vv[s] = jnp.where(kv[s] == rv[s], 0.0, val)

    _tiled(epw, _final)
    pltpu.sync_copy(vv, vals_h.at[pl.ds(base, epw)])


def _sc_segsum_body(row_h, z_h, z0_h, outp_h,
                    row_v, zbuf_v, s2_sh, sem, *, epw, ch, rows_per_sub):
    core = lax.axis_index("c")
    sid = lax.axis_index("s")
    wid = sid * NC + core
    base = wid * epw
    r0 = sid * rows_per_sub

    pltpu.sync_copy(z0_h.at[pl.ds(r0, rows_per_sub)],
                    s2_sh.at[pl.ds(r0, rows_per_sub)])
    plsc.subcore_barrier()

    @pl.loop(0, epw, step=ch)
    def _(off):
        b = base + off
        pltpu.sync_copy(row_h.at[pl.ds(b, ch)], row_v)
        pltpu.sync_copy(z_h.at[pl.ds(b, ch)], zbuf_v)
        pltpu.sync_copy(zbuf_v, s2_sh.at[row_v], add=True)

    plsc.subcore_barrier()
    pltpu.sync_copy(s2_sh.at[pl.ds(r0, rows_per_sub)],
                    outp_h.at[core, pl.ds(r0, rows_per_sub)])



def kernel(x, embed, edge_index, noise, tmp, W1, b1, W2, b2, W_gnn):
    N, D = x.shape
    E = edge_index.shape[1]
    H = W1.shape[1]
    C = W_gnn.shape[1]
    f32, i32 = jnp.float32, jnp.int32

    row = edge_index[0].astype(i32)
    col = edge_index[1].astype(i32)
    noise2 = noise.reshape(E // 128, 128)
    row2 = row.reshape(E // 128, 128)
    col2 = col.reshape(E // 128, 128)
    mesh = plsc.VectorSubcoreMesh(core_axis_name="c", subcore_axis_name="s",
                                  num_cores=NC, num_subcores=NS)

    u, v, xw, nl2, key2, rkey2 = pl.pallas_call(
        functools.partial(_prep_body, n_nodes=N),
        out_shape=[
            jax.ShapeDtypeStruct((N, H), f32),
            jax.ShapeDtypeStruct((N, H), f32),
            jax.ShapeDtypeStruct((N, C), f32),
            jax.ShapeDtypeStruct((E // 128, 128), f32),
            jax.ShapeDtypeStruct((E // 128, 128), i32),
            jax.ShapeDtypeStruct((E // 128, 128), i32),
        ],
    )(embed, x, W1[:D], W1[D:], b1.reshape(1, H), W_gnn, noise2, row2, col2)
    key = key2.reshape(E)
    rkey = rkey2.reshape(E)

    epw = E // (NC * NS)
    ch = 1000
    g1, g2, xwc, t_tab = pl.kernel(
        functools.partial(_sc_gather_body, epw=epw, ch=ch),
        out_type=[
            jax.ShapeDtypeStruct((E, H), f32),
            jax.ShapeDtypeStruct((E, H), f32),
            jax.ShapeDtypeStruct((E, C), f32),
            jax.ShapeDtypeStruct((N * N,), i32),
        ],
        mesh=mesh,
        compiler_params=_SC_PARAMS,
        scratch_types=[
            pltpu.VMEM((ch,), i32),
            pltpu.VMEM((ch, H), f32),
            pltpu.VMEM((ch, C), f32),
            pltpu.VMEM((epw,), i32),
            pltpu.VMEM((epw,), i32),
            pltpu.SemaphoreType.DMA,
            pltpu.SemaphoreType.DMA,
        ],
    )(u, v, xw, row, col, key)

    be = 6400
    br = be // 128
    gate2 = pl.pallas_call(
        functools.partial(_gate_body, br=br),
        grid=(E // be,),
        in_specs=[
            pl.BlockSpec(memory_space=pltpu.SMEM),
            pl.BlockSpec(memory_space=pltpu.SMEM),
            pl.BlockSpec((be, H), lambda i: (i, 0)),
            pl.BlockSpec((be, H), lambda i: (i, 0)),
            pl.BlockSpec((E // 128, 128), lambda i: (0, 0)),
            pl.BlockSpec((H, 1), lambda i: (0, 0)),
        ],
        out_specs=pl.BlockSpec((E // 128, 128), lambda i: (0, 0)),
        out_shape=jax.ShapeDtypeStruct((E // 128, 128), f32),
    )(b2.reshape(1, 1), tmp.reshape(1, 1).astype(f32), g1, g2, nl2, W2)

    wb_a, cbm_a, part = pl.kernel(
        functools.partial(_sc_wp_body, epw=epw, n_edges=E),
        out_type=[
            jax.ShapeDtypeStruct((E,), i32),
            jax.ShapeDtypeStruct((E,), i32),
            jax.ShapeDtypeStruct((NC, E), f32),
        ],
        mesh=mesh,
        compiler_params=_SC_PARAMS,
        scratch_types=[
            pltpu.VMEM((epw,), i32),
            pltpu.VMEM((epw,), i32),
            pltpu.VMEM((epw,), f32),
            pltpu.VMEM((epw,), i32),
            pltpu.VMEM((epw,), i32),
            pltpu.VMEM((epw,), i32),
            pltpu.VMEM((epw,), i32),
            pltpu.VMEM((epw,), i32),
            pltpu.VMEM_SHARED((E,), f32),
            pltpu.SemaphoreType.DMA,
        ],
    )(t_tab, key, rkey, gate2.reshape(E), jnp.zeros((E,), f32))

    vals = pl.kernel(
        functools.partial(_sc_vals2_body, epw=epw, n_edges=E),
        out_type=jax.ShapeDtypeStruct((E,), f32),
        mesh=mesh,
        compiler_params=_SC_PARAMS,
        scratch_types=[
            pltpu.VMEM((epw,), i32),
            pltpu.VMEM((epw,), i32),
            pltpu.VMEM((epw,), i32),
            pltpu.VMEM((epw,), i32),
            pltpu.VMEM((epw,), i32),
            pltpu.VMEM((epw,), f32),
            pltpu.VMEM((epw,), f32),
            pltpu.VMEM((epw,), f32),
            pltpu.VMEM((E // NS,), f32),
            pltpu.VMEM((E // NS,), f32),
            pltpu.VMEM_SHARED((E,), f32),
            pltpu.SemaphoreType.DMA,
        ],
    )(part, key, rkey, wb_a, cbm_a)

    z = pl.pallas_call(
        _scale_body,
        grid=(E // be,),
        in_specs=[
            pl.BlockSpec((be, 1), lambda i: (i, 0)),
            pl.BlockSpec((be, C), lambda i: (i, 0)),
        ],
        out_specs=pl.BlockSpec((be, C), lambda i: (i, 0)),
        out_shape=jax.ShapeDtypeStruct((E, C), f32),
    )(vals.reshape(E, 1), xwc)

    rows_per_sub = N // NS
    outp = pl.kernel(
        functools.partial(_sc_segsum_body, epw=epw, ch=ch,
                          rows_per_sub=rows_per_sub),
        out_type=jax.ShapeDtypeStruct((NC, N, C), f32),
        mesh=mesh,
        compiler_params=_SC_PARAMS,
        scratch_types=[
            pltpu.VMEM((ch,), i32),
            pltpu.VMEM((ch, C), f32),
            pltpu.VMEM_SHARED((N, C), f32),
            pltpu.SemaphoreType.DMA,
        ],
    )(row, z, jnp.zeros((N, C), f32))

    res = pl.pallas_call(
        _softmax_body,
        out_shape=jax.ShapeDtypeStruct((N, C), f32),
    )(outp)
    return res

# --- scband reference (transcript-rebuilt; emitter-appended) ---
"""Pipeline reference for scband-pgexplainer-90975997263901 (READ-ONLY COPY).

The authoritative reference and input builder live on the scoring server;
editing this copy changes nothing except your own understanding.
"""

import jax, jax.numpy as jnp
import numpy as np

N = 10000
E = 160000
D = 128
H = 64
C = 16


def setup_inputs(seed: int = 0) -> dict:
    key = jax.random.key(seed)
    ks = jax.random.split(key, 8)
    x = jax.random.normal(ks[0], (N, D), dtype=jnp.float32)
    embed = jax.random.normal(ks[1], (N, D), dtype=jnp.float32)
    edge_index = jax.random.randint(ks[2], (2, E), 0, N).astype(jnp.int64)
    noise = jax.random.uniform(ks[3], (E,), dtype=jnp.float32, minval=1e-6, maxval=1.0 - 1e-6)
    W1 = jax.random.normal(ks[4], (2 * D, H), dtype=jnp.float32) * 0.05
    b1 = jnp.zeros((H,), dtype=jnp.float32)
    W2 = jax.random.normal(ks[5], (H, 1), dtype=jnp.float32) * 0.05
    b2 = jnp.zeros((1,), dtype=jnp.float32)
    W_gnn = jax.random.normal(ks[6], (D, C), dtype=jnp.float32) * 0.05
    tmp = jnp.float32(1.0)
    return {"x": x, "embed": embed, "edge_index": edge_index, "noise": noise,
            "tmp": tmp, "W1": W1, "b1": b1, "W2": W2, "b2": b2, "W_gnn": W_gnn}


def reference(x, embed, edge_index, noise, tmp, W1, b1, W2, b2, W_gnn):
    row = edge_index[0]
    col = edge_index[1]
    # explainer MLP on concatenated endpoint embeddings (elayers)
    f1 = embed[row]
    f2 = embed[col]
    f12 = jnp.concatenate([f1, f2], axis=-1)
    h = jax.nn.relu(f12 @ W1 + b1)
    log_alpha = (h @ W2 + b2).reshape(-1)
    # concrete_sample (training=True) with precomputed uniform noise
    nz = jnp.clip(noise, 1e-6, 1.0 - 1e-6)
    gate = jax.nn.sigmoid((jnp.log(nz) - jnp.log(1.0 - nz) + log_alpha) / tmp)
    n_nodes = x.shape[0]
    # sparse mask -> dense (uncoalesced to_dense sums duplicates)
    mask = jnp.zeros((n_nodes, n_nodes), dtype=x.dtype).at[row, col].add(gate)
    # symmetrize: sym = (mask + mask.T)/2, evaluated at edge positions
    m_rc = mask[row, col]
    m_cr = mask[col, row]
    vals = 0.5 * (m_rc + m_cr)
    # diag_mask: zero the diagonal
    vals = jnp.where(row == col, jnp.zeros_like(vals), vals)
    # surrogate GNN model on masked adjacency: out = masked_adj @ (x @ W_gnn)
    xw = x @ W_gnn
    out = jax.ops.segment_sum(vals[:, None] * xw[col], row, num_segments=n_nodes)
    res = jax.nn.softmax(out, axis=0)
    return res

if __name__ == "__main__":
    import jax
    _d = setup_inputs()
    print(jax.jit(kernel)(*tuple(_d.values())))

</pallas_src>

<mosaic_0001>
#map = affine_map<(d0, d1) -> (0)>
#map1 = affine_map<(d0, d1) -> (0, 0)>
module attributes {stable_mosaic.version = 14 : i64} {
  func.func @_sc_wp_body(%arg0: i32, %arg1: i32, %arg2: memref<100000000xi32, #tpu.memory_space<hbm>>, %arg3: memref<160000xi32, #tpu.memory_space<hbm>>, %arg4: memref<160000xi32, #tpu.memory_space<hbm>>, %arg5: memref<160000xf32, #tpu.memory_space<hbm>>, %arg6: memref<160000xf32, #tpu.memory_space<hbm>>, %arg7: memref<160000xi32, #tpu.memory_space<hbm>>, %arg8: memref<160000xi32, #tpu.memory_space<hbm>>, %arg9: memref<2x160000xf32, #tpu.memory_space<hbm>>, %arg10: memref<5000xi32, #tpu.memory_space<vmem>>, %arg11: memref<5000xi32, #tpu.memory_space<vmem>>, %arg12: memref<5000xf32, #tpu.memory_space<vmem>>, %arg13: memref<5000xi32, #tpu.memory_space<vmem>>, %arg14: memref<5000xi32, #tpu.memory_space<vmem>>, %arg15: memref<5000xi32, #tpu.memory_space<vmem>>, %arg16: memref<5000xi32, #tpu.memory_space<vmem>>, %arg17: memref<5000xi32, #tpu.memory_space<vmem>>, %arg18: memref<160000xf32, #tpu.memory_space<vmem_shared>>, %arg19: memref<!tpu.dma_semaphore, #tpu.memory_space<semaphore_mem>>) attributes {dimension_semantics = [#tpu.dimension_semantics<core_parallel>, #tpu.dimension_semantics<subcore_parallel>], iteration_bounds = array<i64: 2, 16>, scalar_prefetch = 0 : i64, scratch_operands = 10 : i64, tpu.core_type = #tpu.core_type<sc_vector_subcore>, window_params = [{transform_indices = #map}, {transform_indices = #map}, {transform_indices = #map}, {transform_indices = #map}, {transform_indices = #map}, {transform_indices = #map}, {transform_indices = #map}, {transform_indices = #map1}]} {
    %mul3A = arith.constant 2 : i32
    %mul3A_0 = arith.muli %arg1, %mul3A : i32
    %add3A = arith.addi %mul3A_0, %arg0 : i32
    %mul3A_1 = arith.constant 5000 : i32
    %mul3A_2 = arith.muli %add3A, %mul3A_1 : i32
    %mul3A_3 = arith.constant 10000 : i32
    %mul3A_4 = arith.muli %arg1, %mul3A_3 : i32
    "tpu.region"() ({
      %run_scoped3A = tpu.sem_alloc : memref<!tpu.dma_semaphore, #tpu.memory_space<semaphore_mem>>
      %dma_start3A = tpu.memref_slice %arg18[%mul3A_4] : memref<160000xf32, #tpu.memory_space<vmem_shared>> -> memref<10000xf32, #tpu.memory_space<vmem_shared>>
      %dma_start3A_44 = tpu.memref_slice %arg6[%mul3A_4] : memref<160000xf32, #tpu.memory_space<hbm>> -> memref<10000xf32, #tpu.memory_space<hbm>>
      tpu.enqueue_dma source(%dma_start3A_44 : memref<10000xf32, #tpu.memory_space<hbm>>) target(%dma_start3A : memref<10000xf32, #tpu.memory_space<vmem_shared>>) target_semaphore(%run_scoped3A : memref<!tpu.dma_semaphore, #tpu.memory_space<semaphore_mem>>)
      %dma_wait3A = tpu.memref_slice %arg18[%mul3A_4] : memref<160000xf32, #tpu.memory_space<vmem_shared>> -> memref<10000xf32, #tpu.memory_space<vmem_shared>>
      %dma_wait3A_45 = tpu.memref_slice %arg6[%mul3A_4] : memref<160000xf32, #tpu.memory_space<hbm>> -> memref<10000xf32, #tpu.memory_space<hbm>>
      tpu.wait_dma2 semaphore(%run_scoped3A : memref<!tpu.dma_semaphore, #tpu.memory_space<semaphore_mem>>) src(%dma_wait3A_45 : memref<10000xf32, #tpu.memory_space<hbm>>) dst(%dma_wait3A : memref<10000xf32, #tpu.memory_space<vmem_shared>>)
      tpu.yield
    }) : () -> ()
    "tpu.region"() ({
      %run_scoped3A = tpu.sem_alloc : memref<!tpu.dma_semaphore, #tpu.memory_space<semaphore_mem>>
      %dma_start3A = tpu.memref_slice %arg3[%mul3A_2] : memref<160000xi32, #tpu.memory_space<hbm>> -> memref<5000xi32, #tpu.memory_space<hbm>>
      %dma_start3A_44 = tpu.memref_slice %arg3[%mul3A_2] : memref<160000xi32, #tpu.memory_space<hbm>> -> memref<5000xi32, #tpu.memory_space<hbm>>
      tpu.enqueue_dma source(%dma_start3A_44 : memref<5000xi32, #tpu.memory_space<hbm>>) target(%arg10 : memref<5000xi32, #tpu.memory_space<vmem>>) target_semaphore(%run_scoped3A : memref<!tpu.dma_semaphore, #tpu.memory_space<semaphore_mem>>)
      %dma_wait3A = tpu.memref_slice %arg3[%mul3A_2] : memref<160000xi32, #tpu.memory_space<hbm>> -> memref<5000xi32, #tpu.memory_space<hbm>>
      %dma_wait3A_45 = tpu.memref_slice %arg3[%mul3A_2] : memref<160000xi32, #tpu.memory_space<hbm>> -> memref<5000xi32, #tpu.memory_space<hbm>>
      tpu.wait_dma2 semaphore(%run_scoped3A : memref<!tpu.dma_semaphore, #tpu.memory_space<semaphore_mem>>) src(%dma_wait3A_45 : memref<5000xi32, #tpu.memory_space<hbm>>) dst(%arg10 : memref<5000xi32, #tpu.memory_space<vmem>>)
      tpu.yield
    }) : () -> ()
    "tpu.region"() ({
      %run_scoped3A = tpu.sem_alloc : memref<!tpu.dma_semaphore, #tpu.memory_space<semaphore_mem>>
      %dma_start3A = tpu.memref_slice %arg4[%mul3A_2] : memref<160000xi32, #tpu.memory_space<hbm>> -> memref<5000xi32, #tpu.memory_space<hbm>>
      %dma_start3A_44 = tpu.memref_slice %arg4[%mul3A_2] : memref<160000xi32, #tpu.memory_space<hbm>> -> memref<5000xi32, #tpu.memory_space<hbm>>
      tpu.enqueue_dma source(%dma_start3A_44 : memref<5000xi32, #tpu.memory_space<hbm>>) target(%arg11 : memref<5000xi32, #tpu.memory_space<vmem>>) target_semaphore(%run_scoped3A : memref<!tpu.dma_semaphore, #tpu.memory_space<semaphore_mem>>)
      %dma_wait3A = tpu.memref_slice %arg4[%mul3A_2] : memref<160000xi32, #tpu.memory_space<hbm>> -> memref<5000xi32, #tpu.memory_space<hbm>>
      %dma_wait3A_45 = tpu.memref_slice %arg4[%mul3A_2] : memref<160000xi32, #tpu.memory_space<hbm>> -> memref<5000xi32, #tpu.memory_space<hbm>>
      tpu.wait_dma2 semaphore(%run_scoped3A : memref<!tpu.dma_semaphore, #tpu.memory_space<semaphore_mem>>) src(%dma_wait3A_45 : memref<5000xi32, #tpu.memory_space<hbm>>) dst(%arg11 : memref<5000xi32, #tpu.memory_space<vmem>>)
      tpu.yield
    }) : () -> ()
    "tpu.region"() ({
      %run_scoped3A = tpu.sem_alloc : memref<!tpu.dma_semaphore, #tpu.memory_space<semaphore_mem>>
      %dma_start3A = tpu.memref_slice %arg5[%mul3A_2] : memref<160000xf32, #tpu.memory_space<hbm>> -> memref<5000xf32, #tpu.memory_space<hbm>>
      %dma_start3A_44 = tpu.memref_slice %arg5[%mul3A_2] : memref<160000xf32, #tpu.memory_space<hbm>> -> memref<5000xf32, #tpu.memory_space<hbm>>
      tpu.enqueue_dma source(%dma_start3A_44 : memref<5000xf32, #tpu.memory_space<hbm>>) target(%arg12 : memref<5000xf32, #tpu.memory_space<vmem>>) target_semaphore(%run_scoped3A : memref<!tpu.dma_semaphore, #tpu.memory_space<semaphore_mem>>)
      %dma_wait3A = tpu.memref_slice %arg5[%mul3A_2] : memref<160000xf32, #tpu.memory_space<hbm>> -> memref<5000xf32, #tpu.memory_space<hbm>>
      %dma_wait3A_45 = tpu.memref_slice %arg5[%mul3A_2] : memref<160000xf32, #tpu.memory_space<hbm>> -> memref<5000xf32, #tpu.memory_space<hbm>>
      tpu.wait_dma2 semaphore(%run_scoped3A : memref<!tpu.dma_semaphore, #tpu.memory_space<semaphore_mem>>) src(%dma_wait3A_45 : memref<5000xf32, #tpu.memory_space<hbm>>) dst(%arg12 : memref<5000xf32, #tpu.memory_space<vmem>>)
      tpu.yield
    }) : () -> ()
    "tpu.region"() ({
      %run_scoped3A = tpu.sem_alloc : memref<!tpu.dma_semaphore, #tpu.memory_space<semaphore_mem>>
      %dma_start3A = arith.constant 0 : i32
      %dma_start3A_44 = tpu.memref_slice %arg2[%dma_start3A] : memref<100000000xi32, #tpu.memory_space<hbm>> -> memref<100000000xi32, #tpu.memory_space<hbm>>
      tpu.enqueue_indirect_dma source(%dma_start3A_44 : memref<100000000xi32, #tpu.memory_space<hbm>>) target(%arg13 : memref<5000xi32, #tpu.memory_space<vmem>>) offsets(%arg10 : memref<5000xi32, #tpu.memory_space<vmem>>) semaphore(%run_scoped3A : memref<!tpu.dma_semaphore, #tpu.memory_space<semaphore_mem>>)
      %dma_wait3A = arith.constant 0 : i32
      %dma_wait3A_45 = tpu.memref_slice %arg2[%dma_wait3A] : memref<100000000xi32, #tpu.memory_space<hbm>> -> memref<100000000xi32, #tpu.memory_space<hbm>>
      tpu.wait_indirect_dma semaphore(%run_scoped3A : memref<!tpu.dma_semaphore, #tpu.memory_space<semaphore_mem>>) src(%dma_wait3A_45 : memref<100000000xi32, #tpu.memory_space<hbm>>) dst(%arg13 : memref<5000xi32, #tpu.memory_space<vmem>>)
      tpu.yield
    }) : () -> ()
    "tpu.region"() ({
      %run_scoped3A = tpu.sem_alloc : memref<!tpu.dma_semaphore, #tpu.memory_space<semaphore_mem>>
      %dma_start3A = arith.constant 0 : i32
      %dma_start3A_44 = tpu.memref_slice %arg2[%dma_start3A] : memref<100000000xi32, #tpu.memory_space<hbm>> -> memref<100000000xi32, #tpu.memory_space<hbm>>
      tpu.enqueue_indirect_dma source(%dma_start3A_44 : memref<100000000xi32, #tpu.memory_space<hbm>>) target(%arg14 : memref<5000xi32, #tpu.memory_space<vmem>>) offsets(%arg11 : memref<5000xi32, #tpu.memory_space<vmem>>) semaphore(%run_scoped3A : memref<!tpu.dma_semaphore, #tpu.memory_space<semaphore_mem>>)
      %dma_wait3A = arith.constant 0 : i32
      %dma_wait3A_45 = tpu.memref_slice %arg2[%dma_wait3A] : memref<100000000xi32, #tpu.memory_space<hbm>> -> memref<100000000xi32, #tpu.memory_space<hbm>>
      tpu.wait_indirect_dma semaphore(%run_scoped3A : memref<!tpu.dma_semaphore, #tpu.memory_space<semaphore_mem>>) src(%dma_wait3A_45 : memref<100000000xi32, #tpu.memory_space<hbm>>) dst(%arg14 : memref<5000xi32, #tpu.memory_space<vmem>>)
      tpu.yield
    }) : () -> ()
    %scan3A = arith.constant 0 : i32
    %scan3A_5 = arith.constant 312 : i32
    %scan3A_6 = arith.addi %scan3A, %scan3A_5 : i32
    %scan3A_7 = arith.constant 1 : i32
    scf.for %scan3A_44 = %scan3A to %scan3A_6 step %scan3A_7  : i32 {
      %mul3A_45 = arith.constant 16 : i32
      %mul3A_46 = arith.muli %scan3A_44, %mul3A_45 : i32
      %add3A_47 = arith.constant 0 : i32
      %add3A_48 = arith.addi %add3A_47, %mul3A_46 : i32
      %get3A_49 = arith.index_cast %add3A_48 : i32 to index
      %get3A_50 = tpu.vector_load %arg14[%get3A_49] {strides = array<i32>} : memref<5000xi32, #tpu.memory_space<vmem>>, vector<16xi32>,
      %get3A_51 = vector.shape_cast %get3A_50 : vector<16xi32> to vector<16xi32>
      %max3A_52 = arith.constant 0 : i32
      %max3A_53 = vector.broadcast %max3A_52 : i32 to vector<16xi32>
      %max3A_54 = arith.maxsi %get3A_51, %max3A_53 : vector<16xi32>
      %min3A_55 = arith.constant 159999 : i32
      %min3A_56 = vector.broadcast %min3A_55 : i32 to vector<16xi32>
      %min3A_57 = arith.minsi %max3A_54, %min3A_56 : vector<16xi32>
      %swap3A_58 = arith.index_cast %add3A_48 : i32 to index
      %swap3A_59 = tpu.vector_load %arg15[%swap3A_58] {strides = array<i32>} : memref<5000xi32, #tpu.memory_space<vmem>>, vector<16xi32>,
      %swap3A_60 = vector.shape_cast %swap3A_59 : vector<16xi32> to vector<16xi32>
      %swap3A_61 = vector.shape_cast %min3A_57 : vector<16xi32> to vector<16xi32>
      tpu.vector_store %arg15[%swap3A_58], %swap3A_61 {strides = array<i32>} : memref<5000xi32, #tpu.memory_space<vmem>>, vector<16xi32>,
    }
    %scan3A_8 = arith.constant 312 : i32
    %get3A = arith.constant 4984 : index
    %get3A_9 = tpu.vector_load %arg14[%get3A] {strides = array<i32>} : memref<5000xi32, #tpu.memory_space<vmem>>, vector<16xi32>,
    %get3A_10 = vector.shape_cast %get3A_9 : vector<16xi32> to vector<16xi32>
    %max3A = arith.constant 0 : i32
    %max3A_11 = vector.broadcast %max3A : i32 to vector<16xi32>
    %max3A_12 = arith.maxsi %get3A_10, %max3A_11 : vector<16xi32>
    %min3A = arith.constant 159999 : i32
    %min3A_13 = vector.broadcast %min3A : i32 to vector<16xi32>
    %min3A_14 = arith.minsi %max3A_12, %min3A_13 : vector<16xi32>
    %swap3A = arith.constant 4984 : index
    %swap3A_15 = tpu.vector_load %arg15[%swap3A] {strides = array<i32>} : memref<5000xi32, #tpu.memory_space<vmem>>, vector<16xi32>,
    %swap3A_16 = vector.shape_cast %swap3A_15 : vector<16xi32> to vector<16xi32>
    %swap3A_17 = vector.shape_cast %min3A_14 : vector<16xi32> to vector<16xi32>
    tpu.vector_store %arg15[%swap3A], %swap3A_17 {strides = array<i32>} : memref<5000xi32, #tpu.memory_space<vmem>>, vector<16xi32>,
    "tpu.region"() ({
      %run_scoped3A = tpu.sem_alloc : memref<!tpu.dma_semaphore, #tpu.memory_space<semaphore_mem>>
      %dma_start3A = arith.constant 0 : i32
      %dma_start3A_44 = tpu.memref_slice %arg3[%dma_start3A] : memref<160000xi32, #tpu.memory_space<hbm>> -> memref<160000xi32, #tpu.memory_space<hbm>>
      tpu.enqueue_indirect_dma source(%dma_start3A_44 : memref<160000xi32, #tpu.memory_space<hbm>>) target(%arg17 : memref<5000xi32, #tpu.memory_space<vmem>>) offsets(%arg15 : memref<5000xi32, #tpu.memory_space<vmem>>) semaphore(%run_scoped3A : memref<!tpu.dma_semaphore, #tpu.memory_space<semaphore_mem>>)
      %dma_wait3A = arith.constant 0 : i32
      %dma_wait3A_45 = tpu.memref_slice %arg3[%dma_wait3A] : memref<160000xi32, #tpu.memory_space<hbm>> -> memref<160000xi32, #tpu.memory_space<hbm>>
      tpu.wait_indirect_dma semaphore(%run_scoped3A : memref<!tpu.dma_semaphore, #tpu.memory_space<semaphore_mem>>) src(%dma_wait3A_45 : memref<160000xi32, #tpu.memory_space<hbm>>) dst(%arg17 : memref<5000xi32, #tpu.memory_space<vmem>>)
      tpu.yield
    }) : () -> ()
    %scan3A_18 = arith.constant 0 : i32
    %scan3A_19 = arith.constant 312 : i32
    %scan3A_20 = arith.addi %scan3A_18, %scan3A_19 : i32
    %scan3A_21 = arith.constant 1 : i32
    scf.for %scan3A_44 = %scan3A_18 to %scan3A_20 step %scan3A_21  : i32 {
      %mul3A_45 = arith.constant 16 : i32
      %mul3A_46 = arith.muli %scan3A_44, %mul3A_45 : i32
      %add3A_47 = arith.constant 0 : i32
      %add3A_48 = arith.addi %add3A_47, %mul3A_46 : i32
      %get3A_49 = arith.index_cast %add3A_48 : i32 to index
      %get3A_50 = tpu.vector_load %arg14[%get3A_49] {strides = array<i32>} : memref<5000xi32, #tpu.memory_space<vmem>>, vector<16xi32>,
      %get3A_51 = vector.shape_cast %get3A_50 : vector<16xi32> to vector<16xi32>
      %get3A_52 = arith.index_cast %add3A_48 : i32 to index
      %get3A_53 = tpu.vector_load %arg15[%get3A_52] {strides = array<i32>} : memref<5000xi32, #tpu.memory_space<vmem>>, vector<16xi32>,
      %get3A_54 = vector.shape_cast %get3A_53 : vector<16xi32> to vector<16xi32>
      %eq3A_55 = arith.cmpi eq, %get3A_51, %get3A_54 : vector<16xi32>
      %get3A_56 = arith.index_cast %add3A_48 : i32 to index
      %get3A_57 = tpu.vector_load %arg17[%get3A_56] {strides = array<i32>} : memref<5000xi32, #tpu.memory_space<vmem>>, vector<16xi32>,
      %get3A_58 = vector.shape_cast %get3A_57 : vector<16xi32> to vector<16xi32>
      %get3A_59 = arith.index_cast %add3A_48 : i32 to index
      %get3A_60 = tpu.vector_load %arg11[%get3A_59] {strides = array<i32>} : memref<5000xi32, #tpu.memory_space<vmem>>, vector<16xi32>,
      %get3A_61 = vector.shape_cast %get3A_60 : vector<16xi32> to vector<16xi32>
      %eq3A_62 = arith.cmpi eq, %get3A_58, %get3A_61 : vector<16xi32>
      %and3A_63 = arith.andi %eq3A_55, %eq3A_62 : vector<16xi1>
      %get3A_64 = arith.index_cast %add3A_48 : i32 to index
      %get3A_65 = tpu.vector_load %arg15[%get3A_64] {strides = array<i32>} : memref<5000xi32, #tpu.memory_space<vmem>>, vector<16xi32>,
      %get3A_66 = vector.shape_cast %get3A_65 : vector<16xi32> to vector<16xi32>
      %jit3A_67 = arith.constant -1 : i32
      %broadcast_in_dim3A_68 = vector.broadcast %jit3A_67 : i32 to vector<16xi32>
      %select_n3A_69 = arith.select %and3A_63, %get3A_66, %broadcast_in_dim3A_68 : vector<16xi1>, vector<16xi32>
      %swap3A_70 = arith.index_cast %add3A_48 : i32 to index
      %swap3A_71 = tpu.vector_load %arg16[%swap3A_70] {strides = array<i32>} : memref<5000xi32, #tpu.memory_space<vmem>>, vector<16xi32>,
      %swap3A_72 = vector.shape_cast %swap3A_71 : vector<16xi32> to vector<16xi32>
      %swap3A_73 = vector.shape_cast %select_n3A_69 : vector<16xi32> to vector<16xi32>
      tpu.vector_store %arg16[%swap3A_70], %swap3A_73 {strides = array<i32>} : memref<5000xi32, #tpu.memory_space<vmem>>, vector<16xi32>,
    }
    %scan3A_22 = arith.constant 312 : i32
    %get3A_23 = arith.constant 4984 : index
    %get3A_24 = tpu.vector_load %arg14[%get3A_23] {strides = array<i32>} : memref<5000xi32, #tpu.memory_space<vmem>>, vector<16xi32>,
    %get3A_25 = vector.shape_cast %get3A_24 : vector<16xi32> to vector<16xi32>
    %get3A_26 = arith.constant 4984 : index
    %get3A_27 = tpu.vector_load %arg15[%get3A_26] {strides = array<i32>} : memref<5000xi32, #tpu.memory_space<vmem>>, vector<16xi32>,
    %get3A_28 = vector.shape_cast %get3A_27 : vector<16xi32> to vector<16xi32>
    %eq3A = arith.cmpi eq, %get3A_25, %get3A_28 : vector<16xi32>
    %get3A_29 = arith.constant 4984 : index
    %get3A_30 = tpu.vector_load %arg17[%get3A_29] {strides = array<i32>} : memref<5000xi32, #tpu.memory_space<vmem>>, vector<16xi32>,
    %get3A_31 = vector.shape_cast %get3A_30 : vector<16xi32> to vector<16xi32>
    %get3A_32 = arith.constant 4984 : index
    %get3A_33 = tpu.vector_load %arg11[%get3A_32] {strides = array<i32>} : memref<5000xi32, #tpu.memory_space<vmem>>, vector<16xi32>,
    %get3A_34 = vector.shape_cast %get3A_33 : vector<16xi32> to vector<16xi32>
    %eq3A_35 = arith.cmpi eq, %get3A_31, %get3A_34 : vector<16xi32>
    %and3A = arith.andi %eq3A, %eq3A_35 : vector<16xi1>
    %get3A_36 = arith.constant 4984 : index
    %get3A_37 = tpu.vector_load %arg15[%get3A_36] {strides = array<i32>} : memref<5000xi32, #tpu.memory_space<vmem>>, vector<16xi32>,
    %get3A_38 = vector.shape_cast %get3A_37 : vector<16xi32> to vector<16xi32>
    %jit3A = arith.constant -1 : i32
    %broadcast_in_dim3A = vector.broadcast %jit3A : i32 to vector<16xi32>
    %select_n3A = arith.select %and3A, %get3A_38, %broadcast_in_dim3A : vector<16xi1>, vector<16xi32>
    %swap3A_39 = arith.constant 4984 : index
    %swap3A_40 = tpu.vector_load %arg16[%swap3A_39] {strides = array<i32>} : memref<5000xi32, #tpu.memory_space<vmem>>, vector<16xi32>,
    %swap3A_41 = vector.shape_cast %swap3A_40 : vector<16xi32> to vector<16xi32>
    %swap3A_42 = vector.shape_cast %select_n3A : vector<16xi32> to vector<16xi32>
    tpu.vector_store %arg16[%swap3A_39], %swap3A_42 {strides = array<i32>} : memref<5000xi32, #tpu.memory_space<vmem>>, vector<16xi32>,
    %barrier3A = arith.constant 0 : index
    tpu.barrier barrier_id(%barrier3A)
    "tpu.region"() ({
      %run_scoped3A = tpu.sem_alloc : memref<!tpu.dma_semaphore, #tpu.memory_space<semaphore_mem>>
      %dma_start3A = arith.constant 0 : i32
      %dma_start3A_44 = tpu.memref_slice %arg18[%dma_start3A] : memref<160000xf32, #tpu.memory_space<vmem_shared>> -> memref<160000xf32, #tpu.memory_space<vmem_shared>>
      tpu.enqueue_indirect_dma source(%arg12 : memref<5000xf32, #tpu.memory_space<vmem>>) target(%dma_start3A_44 : memref<160000xf32, #tpu.memory_space<vmem_shared>>) offsets(%arg13 : memref<5000xi32, #tpu.memory_space<vmem>>) semaphore(%run_scoped3A : memref<!tpu.dma_semaphore, #tpu.memory_space<semaphore_mem>>) {add = true}
      %dma_wait3A = arith.constant 0 : i32
      %dma_wait3A_45 = tpu.memref_slice %arg18[%dma_wait3A] : memref<160000xf32, #tpu.memory_space<vmem_shared>> -> memref<160000xf32, #tpu.memory_space<vmem_shared>>
      tpu.wait_indirect_dma semaphore(%run_scoped3A : memref<!tpu.dma_semaphore, #tpu.memory_space<semaphore_mem>>) src(%arg12 : memref<5000xf32, #tpu.memory_space<vmem>>) dst(%dma_wait3A_45 : memref<160000xf32, #tpu.memory_space<vmem_shared>>)
      tpu.yield
    }) : () -> ()
    %barrier3A_43 = arith.constant 0 : index
    tpu.barrier barrier_id(%barrier3A_43)
    "tpu.region"() ({
      %run_scoped3A = tpu.sem_alloc : memref<!tpu.dma_semaphore, #tpu.memory_space<semaphore_mem>>
      %dma_start3A = tpu.memref_slice %arg9[%arg0, %mul3A_4] : memref<2x160000xf32, #tpu.memory_space<hbm>> -> memref<1x10000xf32, #tpu.memory_space<hbm>>
      %dma_start3A_44 = tpu.memref_squeeze %dma_start3A : memref<1x10000xf32, #tpu.memory_space<hbm>> -> memref<10000xf32, #tpu.memory_space<hbm>>
      %dma_start3A_45 = tpu.memref_slice %arg18[%mul3A_4] : memref<160000xf32, #tpu.memory_space<vmem_shared>> -> memref<10000xf32, #tpu.memory_space<vmem_shared>>
      tpu.enqueue_dma source(%dma_start3A_45 : memref<10000xf32, #tpu.memory_space<vmem_shared>>) target(%dma_start3A_44 : memref<10000xf32, #tpu.memory_space<hbm>>) target_semaphore(%run_scoped3A : memref<!tpu.dma_semaphore, #tpu.memory_space<semaphore_mem>>)
      %dma_wait3A = tpu.memref_slice %arg9[%arg0, %mul3A_4] : memref<2x160000xf32, #tpu.memory_space<hbm>> -> memref<1x10000xf32, #tpu.memory_space<hbm>>
      %dma_wait3A_46 = tpu.memref_squeeze %dma_wait3A : memref<1x10000xf32, #tpu.memory_space<hbm>> -> memref<10000xf32, #tpu.memory_space<hbm>>
      %dma_wait3A_47 = tpu.memref_slice %arg18[%mul3A_4] : memref<160000xf32, #tpu.memory_space<vmem_shared>> -> memref<10000xf32, #tpu.memory_space<vmem_shared>>
      tpu.wait_dma2 semaphore(%run_scoped3A : memref<!tpu.dma_semaphore, #tpu.memory_space<semaphore_mem>>) src(%dma_wait3A_47 : memref<10000xf32, #tpu.memory_space<vmem_shared>>) dst(%dma_wait3A_46 : memref<10000xf32, #tpu.memory_space<hbm>>)
      tpu.yield
    }) : () -> ()
    "tpu.region"() ({
      %run_scoped3A = tpu.sem_alloc : memref<!tpu.dma_semaphore, #tpu.memory_space<semaphore_mem>>
      %dma_start3A = tpu.memref_slice %arg7[%mul3A_2] : memref<160000xi32, #tpu.memory_space<hbm>> -> memref<5000xi32, #tpu.memory_space<hbm>>
      %dma_start3A_44 = tpu.memref_slice %arg7[%mul3A_2] : memref<160000xi32, #tpu.memory_space<hbm>> -> memref<5000xi32, #tpu.memory_space<hbm>>
      tpu.enqueue_dma source(%arg13 : memref<5000xi32, #tpu.memory_space<vmem>>) target(%dma_start3A_44 : memref<5000xi32, #tpu.memory_space<hbm>>) target_semaphore(%run_scoped3A : memref<!tpu.dma_semaphore, #tpu.memory_space<semaphore_mem>>)
      %dma_wait3A = tpu.memref_slice %arg7[%mul3A_2] : memref<160000xi32, #tpu.memory_space<hbm>> -> memref<5000xi32, #tpu.memory_space<hbm>>
      %dma_wait3A_45 = tpu.memref_slice %arg7[%mul3A_2] : memref<160000xi32, #tpu.memory_space<hbm>> -> memref<5000xi32, #tpu.memory_space<hbm>>
      tpu.wait_dma2 semaphore(%run_scoped3A : memref<!tpu.dma_semaphore, #tpu.memory_space<semaphore_mem>>) src(%arg13 : memref<5000xi32, #tpu.memory_space<vmem>>) dst(%dma_wait3A_45 : memref<5000xi32, #tpu.memory_space<hbm>>)
      tpu.yield
    }) : () -> ()
    "tpu.region"() ({
      %run_scoped3A = tpu.sem_alloc : memref<!tpu.dma_semaphore, #tpu.memory_space<semaphore_mem>>
      %dma_start3A = tpu.memref_slice %arg8[%mul3A_2] : memref<160000xi32, #tpu.memory_space<hbm>> -> memref<5000xi32, #tpu.memory_space<hbm>>
      %dma_start3A_44 = tpu.memref_slice %arg8[%mul3A_2] : memref<160000xi32, #tpu.memory_space<hbm>> -> memref<5000xi32, #tpu.memory_space<hbm>>
      tpu.enqueue_dma source(%arg16 : memref<5000xi32, #tpu.memory_space<vmem>>) target(%dma_start3A_44 : memref<5000xi32, #tpu.memory_space<hbm>>) target_semaphore(%run_scoped3A : memref<!tpu.dma_semaphore, #tpu.memory_space<semaphore_mem>>)
      %dma_wait3A = tpu.memref_slice %arg8[%mul3A_2] : memref<160000xi32, #tpu.memory_space<hbm>> -> memref<5000xi32, #tpu.memory_space<hbm>>
      %dma_wait3A_45 = tpu.memref_slice %arg8[%mul3A_2] : memref<160000xi32, #tpu.memory_space<hbm>> -> memref<5000xi32, #tpu.memory_space<hbm>>
      tpu.wait_dma2 semaphore(%run_scoped3A : memref<!tpu.dma_semaphore, #tpu.memory_space<semaphore_mem>>) src(%arg16 : memref<5000xi32, #tpu.memory_space<vmem>>) dst(%dma_wait3A_45 : memref<5000xi32, #tpu.memory_space<hbm>>)
      tpu.yield
    }) : () -> ()
    return
  }
}

#map = affine_map<(d0, d1) -> (0, 0)>
#map1 = affine_map<(d0, d1) -> (0)>
module attributes {stable_mosaic.version = 14 : i64} {
  func.func @_sc_vals2_body(%arg0: i32, %arg1: i32, %arg2: memref<2x160000xf32, #tpu.memory_space<hbm>>, %arg3: memref<160000xi32, #tpu.memory_space<hbm>>, %arg4: memref<160000xi32, #tpu.memory_space<hbm>>, %arg5: memref<160000xi32, #tpu.memory_space<hbm>>, %arg6: memref<160000xi32, #tpu.memory_space<hbm>>, %arg7: memref<160000xf32, #tpu.memory_space<hbm>>, %arg8: memref<5000xi32, #tpu.memory_space<vmem>>, %arg9: memref<5000xi32, #tpu.memory_space<vmem>>, %arg10: memref<5000xi32, #tpu.memory_space<vmem>>, %arg11: memref<5000xi32, #tpu.memory_space<vmem>>, %arg12: memref<5000xi32, #tpu.memory_space<vmem>>, %arg13: memref<5000xf32, #tpu.memory_space<vmem>>, %arg14: memref<5000xf32, #tpu.memory_space<vmem>>, %arg15: memref<5000xf32, #tpu.memory_space<vmem>>, %arg16: memref<10000xf32, #tpu.memory_space<vmem>>, %arg17: memref<10000xf32, #tpu.memory_space<vmem>>, %arg18: memref<160000xf32, #tpu.memory_space<vmem_shared>>, %arg19: memref<!tpu.dma_semaphore, #tpu.memory_space<semaphore_mem>>) attributes {dimension_semantics = [#tpu.dimension_semantics<core_parallel>, #tpu.dimension_semantics<subcore_parallel>], iteration_bounds = array<i64: 2, 16>, scalar_prefetch = 0 : i64, scratch_operands = 12 : i64, tpu.core_type = #tpu.core_type<sc_vector_subcore>, window_params = [{transform_indices = #map}, {transform_indices = #map1}, {transform_indices = #map1}, {transform_indices = #map1}, {transform_indices = #map1}, {transform_indices = #map1}]} {
    %mul3A = arith.constant 2 : i32
    %mul3A_0 = arith.muli %arg1, %mul3A : i32
    %add3A = arith.addi %mul3A_0, %arg0 : i32
    %mul3A_1 = arith.constant 5000 : i32
    %mul3A_2 = arith.muli %add3A, %mul3A_1 : i32
    %mul3A_3 = arith.constant 10000 : i32
    %mul3A_4 = arith.muli %arg1, %mul3A_3 : i32
    %run_scoped3A = arith.constant 0 : i32
    "tpu.region"() ({
      %run_scoped3A_55 = tpu.sem_alloc : memref<!tpu.dma_semaphore, #tpu.memory_space<semaphore_mem>>
      %dma_start3A = tpu.memref_slice %arg2[%run_scoped3A, %mul3A_4] : memref<2x160000xf32, #tpu.memory_space<hbm>> -> memref<1x10000xf32, #tpu.memory_space<hbm>>
      %dma_start3A_56 = tpu.memref_squeeze %dma_start3A : memref<1x10000xf32, #tpu.memory_space<hbm>> -> memref<10000xf32, #tpu.memory_space<hbm>>
      %dma_start3A_57 = tpu.memref_slice %arg2[%run_scoped3A, %mul3A_4] : memref<2x160000xf32, #tpu.memory_space<hbm>> -> memref<1x10000xf32, #tpu.memory_space<hbm>>
      %dma_start3A_58 = tpu.memref_squeeze %dma_start3A_57 : memref<1x10000xf32, #tpu.memory_space<hbm>> -> memref<10000xf32, #tpu.memory_space<hbm>>
      tpu.enqueue_dma source(%dma_start3A_58 : memref<10000xf32, #tpu.memory_space<hbm>>) target(%arg16 : memref<10000xf32, #tpu.memory_space<vmem>>) target_semaphore(%run_scoped3A_55 : memref<!tpu.dma_semaphore, #tpu.memory_space<semaphore_mem>>)
      %dma_wait3A = tpu.memref_slice %arg2[%run_scoped3A, %mul3A_4] : memref<2x160000xf32, #tpu.memory_space<hbm>> -> memref<1x10000xf32, #tpu.memory_space<hbm>>
      %dma_wait3A_59 = tpu.memref_squeeze %dma_wait3A : memref<1x10000xf32, #tpu.memory_space<hbm>> -> memref<10000xf32, #tpu.memory_space<hbm>>
      %dma_wait3A_60 = tpu.memref_slice %arg2[%run_scoped3A, %mul3A_4] : memref<2x160000xf32, #tpu.memory_space<hbm>> -> memref<1x10000xf32, #tpu.memory_space<hbm>>
      %dma_wait3A_61 = tpu.memref_squeeze %dma_wait3A_60 : memref<1x10000xf32, #tpu.memory_space<hbm>> -> memref<10000xf32, #tpu.memory_space<hbm>>
      tpu.wait_dma2 semaphore(%run_scoped3A_55 : memref<!tpu.dma_semaphore, #tpu.memory_space<semaphore_mem>>) src(%dma_wait3A_61 : memref<10000xf32, #tpu.memory_space<hbm>>) dst(%arg16 : memref<10000xf32, #tpu.memory_space<vmem>>)
      tpu.yield
    }) : () -> ()
    %run_scoped3A_5 = arith.constant 1 : i32
    "tpu.region"() ({
      %run_scoped3A_55 = tpu.sem_alloc : memref<!tpu.dma_semaphore, #tpu.memory_space<semaphore_mem>>
      %dma_start3A = tpu.memref_slice %arg2[%run_scoped3A_5, %mul3A_4] : memref<2x160000xf32, #tpu.memory_space<hbm>> -> memref<1x10000xf32, #tpu.memory_space<hbm>>
      %dma_start3A_56 = tpu.memref_squeeze %dma_start3A : memref<1x10000xf32, #tpu.memory_space<hbm>> -> memref<10000xf32, #tpu.memory_space<hbm>>
      %dma_start3A_57 = tpu.memref_slice %arg2[%run_scoped3A_5, %mul3A_4] : memref<2x160000xf32, #tpu.memory_space<hbm>> -> memref<1x10000xf32, #tpu.memory_space<hbm>>
      %dma_start3A_58 = tpu.memref_squeeze %dma_start3A_57 : memref<1x10000xf32, #tpu.memory_space<hbm>> -> memref<10000xf32, #tpu.memory_space<hbm>>
      tpu.enqueue_dma source(%dma_start3A_58 : memref<10000xf32, #tpu.memory_space<hbm>>) target(%arg17 : memref<10000xf32, #tpu.memory_space<vmem>>) target_semaphore(%run_scoped3A_55 : memref<!tpu.dma_semaphore, #tpu.memory_space<semaphore_mem>>)
      %dma_wait3A = tpu.memref_slice %arg2[%run_scoped3A_5, %mul3A_4] : memref<2x160000xf32, #tpu.memory_space<hbm>> -> memref<1x10000xf32, #tpu.memory_space<hbm>>
      %dma_wait3A_59 = tpu.memref_squeeze %dma_wait3A : memref<1x10000xf32, #tpu.memory_space<hbm>> -> memref<10000xf32, #tpu.memory_space<hbm>>
      %dma_wait3A_60 = tpu.memref_slice %arg2[%run_scoped3A_5, %mul3A_4] : memref<2x160000xf32, #tpu.memory_space<hbm>> -> memref<1x10000xf32, #tpu.memory_space<hbm>>
      %dma_wait3A_61 = tpu.memref_squeeze %dma_wait3A_60 : memref<1x10000xf32, #tpu.memory_space<hbm>> -> memref<10000xf32, #tpu.memory_space<hbm>>
      tpu.wait_dma2 semaphore(%run_scoped3A_55 : memref<!tpu.dma_semaphore, #tpu.memory_space<semaphore_mem>>) src(%dma_wait3A_61 : memref<10000xf32, #tpu.memory_space<hbm>>) dst(%arg17 : memref<10000xf32, #tpu.memory_space<vmem>>)
      tpu.yield
    }) : () -> ()
    %scan3A = arith.constant 0 : i32
    %scan3A_6 = arith.constant 625 : i32
    %scan3A_7 = arith.addi %scan3A, %scan3A_6 : i32
    %scan3A_8 = arith.constant 1 : i32
    scf.for %scan3A_55 = %scan3A to %scan3A_7 step %scan3A_8  : i32 {
      %mul3A_56 = arith.constant 16 : i32
      %mul3A_57 = arith.muli %scan3A_55, %mul3A_56 : i32
      %add3A_58 = arith.constant 0 : i32
      %add3A_59 = arith.addi %add3A_58, %mul3A_57 : i32
      %get3A_60 = arith.index_cast %add3A_59 : i32 to index
      %get3A_61 = tpu.vector_load %arg16[%get3A_60] {strides = array<i32>} : memref<10000xf32, #tpu.memory_space<vmem>>, vector<16xf32>,
      %get3A_62 = vector.shape_cast %get3A_61 : vector<16xf32> to vector<16xf32>
      %get3A_63 = arith.index_cast %add3A_59 : i32 to index
      %get3A_64 = tpu.vector_load %arg17[%get3A_63] {strides = array<i32>} : memref<10000xf32, #tpu.memory_space<vmem>>, vector<16xf32>,
      %get3A_65 = vector.shape_cast %get3A_64 : vector<16xf32> to vector<16xf32>
      %add3A_66 = arith.addf %get3A_62, %get3A_65 : vector<16xf32>
      %swap3A_67 = arith.index_cast %add3A_59 : i32 to index
      %swap3A_68 = tpu.vector_load %arg16[%swap3A_67] {strides = array<i32>} : memref<10000xf32, #tpu.memory_space<vmem>>, vector<16xf32>,
      %swap3A_69 = vector.shape_cast %swap3A_68 : vector<16xf32> to vector<16xf32>
      %swap3A_70 = vector.shape_cast %add3A_66 : vector<16xf32> to vector<16xf32>
      tpu.vector_store %arg16[%swap3A_67], %swap3A_70 {strides = array<i32>} : memref<10000xf32, #tpu.memory_space<vmem>>, vector<16xf32>,
    }
    %scan3A_9 = arith.constant 625 : i32
    "tpu.region"() ({
      %run_scoped3A_55 = tpu.sem_alloc : memref<!tpu.dma_semaphore, #tpu.memory_space<semaphore_mem>>
      %dma_start3A = tpu.memref_slice %arg18[%mul3A_4] : memref<160000xf32, #tpu.memory_space<vmem_shared>> -> memref<10000xf32, #tpu.memory_space<vmem_shared>>
      %dma_start3A_56 = tpu.memref_slice %arg18[%mul3A_4] : memref<160000xf32, #tpu.memory_space<vmem_shared>> -> memref<10000xf32, #tpu.memory_space<vmem_shared>>
      tpu.enqueue_dma source(%arg16 : memref<10000xf32, #tpu.memory_space<vmem>>) target(%dma_start3A_56 : memref<10000xf32, #tpu.memory_space<vmem_shared>>) target_semaphore(%run_scoped3A_55 : memref<!tpu.dma_semaphore, #tpu.memory_space<semaphore_mem>>)
      %dma_wait3A = tpu.memref_slice %arg18[%mul3A_4] : memref<160000xf32, #tpu.memory_space<vmem_shared>> -> memref<10000xf32, #tpu.memory_space<vmem_shared>>
      %dma_wait3A_57 = tpu.memref_slice %arg18[%mul3A_4] : memref<160000xf32, #tpu.memory_space<vmem_shared>> -> memref<10000xf32, #tpu.memory_space<vmem_shared>>
      tpu.wait_dma2 semaphore(%run_scoped3A_55 : memref<!tpu.dma_semaphore, #tpu.memory_space<semaphore_mem>>) src(%arg16 : memref<10000xf32, #tpu.memory_space<vmem>>) dst(%dma_wait3A_57 : memref<10000xf32, #tpu.memory_space<vmem_shared>>)
      tpu.yield
    }) : () -> ()
    %barrier3A = arith.constant 0 : index
    tpu.barrier barrier_id(%barrier3A)
    "tpu.region"() ({
      %run_scoped3A_55 = tpu.sem_alloc : memref<!tpu.dma_semaphore, #tpu.memory_space<semaphore_mem>>
      %dma_start3A = tpu.memref_slice %arg3[%mul3A_2] : memref<160000xi32, #tpu.memory_space<hbm>> -> memref<5000xi32, #tpu.memory_space<hbm>>
      %dma_start3A_56 = tpu.memref_slice %arg3[%mul3A_2] : memref<160000xi32, #tpu.memory_space<hbm>> -> memref<5000xi32, #tpu.memory_space<hbm>>
      tpu.enqueue_dma source(%dma_start3A_56 : memref<5000xi32, #tpu.memory_space<hbm>>) target(%arg8 : memref<5000xi32, #tpu.memory_space<vmem>>) target_semaphore(%run_scoped3A_55 : memref<!tpu.dma_semaphore, #tpu.memory_space<semaphore_mem>>)
      %dma_wait3A = tpu.memref_slice %arg3[%mul3A_2] : memref<160000xi32, #tpu.memory_space<hbm>> -> memref<5000xi32, #tpu.memory_space<hbm>>
      %dma_wait3A_57 = tpu.memref_slice %arg3[%mul3A_2] : memref<160000xi32, #tpu.memory_space<hbm>> -> memref<5000xi32, #tpu.memory_space<hbm>>
      tpu.wait_dma2 semaphore(%run_scoped3A_55 : memref<!tpu.dma_semaphore, #tpu.memory_space<semaphore_mem>>) src(%dma_wait3A_57 : memref<5000xi32, #tpu.memory_space<hbm>>) dst(%arg8 : memref<5000xi32, #tpu.memory_space<vmem>>)
      tpu.yield
    }) : () -> ()
    "tpu.region"() ({
      %run_scoped3A_55 = tpu.sem_alloc : memref<!tpu.dma_semaphore, #tpu.memory_space<semaphore_mem>>
      %dma_start3A = tpu.memref_slice %arg4[%mul3A_2] : memref<160000xi32, #tpu.memory_space<hbm>> -> memref<5000xi32, #tpu.memory_space<hbm>>
      %dma_start3A_56 = tpu.memref_slice %arg4[%mul3A_2] : memref<160000xi32, #tpu.memory_space<hbm>> -> memref<5000xi32, #tpu.memory_space<hbm>>
      tpu.enqueue_dma source(%dma_start3A_56 : memref<5000xi32, #tpu.memory_space<hbm>>) target(%arg9 : memref<5000xi32, #tpu.memory_space<vmem>>) target_semaphore(%run_scoped3A_55 : memref<!tpu.dma_semaphore, #tpu.memory_space<semaphore_mem>>)
      %dma_wait3A = tpu.memref_slice %arg4[%mul3A_2] : memref<160000xi32, #tpu.memory_space<hbm>> -> memref<5000xi32, #tpu.memory_space<hbm>>
      %dma_wait3A_57 = tpu.memref_slice %arg4[%mul3A_2] : memref<160000xi32, #tpu.memory_space<hbm>> -> memref<5000xi32, #tpu.memory_space<hbm>>
      tpu.wait_dma2 semaphore(%run_scoped3A_55 : memref<!tpu.dma_semaphore, #tpu.memory_space<semaphore_mem>>) src(%dma_wait3A_57 : memref<5000xi32, #tpu.memory_space<hbm>>) dst(%arg9 : memref<5000xi32, #tpu.memory_space<vmem>>)
      tpu.yield
    }) : () -> ()
    "tpu.region"() ({
      %run_scoped3A_55 = tpu.sem_alloc : memref<!tpu.dma_semaphore, #tpu.memory_space<semaphore_mem>>
      %dma_start3A = tpu.memref_slice %arg5[%mul3A_2] : memref<160000xi32, #tpu.memory_space<hbm>> -> memref<5000xi32, #tpu.memory_space<hbm>>
      %dma_start3A_56 = tpu.memref_slice %arg5[%mul3A_2] : memref<160000xi32, #tpu.memory_space<hbm>> -> memref<5000xi32, #tpu.memory_space<hbm>>
      tpu.enqueue_dma source(%dma_start3A_56 : memref<5000xi32, #tpu.memory_space<hbm>>) target(%arg10 : memref<5000xi32, #tpu.memory_space<vmem>>) target_semaphore(%run_scoped3A_55 : memref<!tpu.dma_semaphore, #tpu.memory_space<semaphore_mem>>)
      %dma_wait3A = tpu.memref_slice %arg5[%mul3A_2] : memref<160000xi32, #tpu.memory_space<hbm>> -> memref<5000xi32, #tpu.memory_space<hbm>>
      %dma_wait3A_57 = tpu.memref_slice %arg5[%mul3A_2] : memref<160000xi32, #tpu.memory_space<hbm>> -> memref<5000xi32, #tpu.memory_space<hbm>>
      tpu.wait_dma2 semaphore(%run_scoped3A_55 : memref<!tpu.dma_semaphore, #tpu.memory_space<semaphore_mem>>) src(%dma_wait3A_57 : memref<5000xi32, #tpu.memory_space<hbm>>) dst(%arg10 : memref<5000xi32, #tpu.memory_space<vmem>>)
      tpu.yield
    }) : () -> ()
    "tpu.region"() ({
      %run_scoped3A_55 = tpu.sem_alloc : memref<!tpu.dma_semaphore, #tpu.memory_space<semaphore_mem>>
      %dma_start3A = tpu.memref_slice %arg6[%mul3A_2] : memref<160000xi32, #tpu.memory_space<hbm>> -> memref<5000xi32, #tpu.memory_space<hbm>>
      %dma_start3A_56 = tpu.memref_slice %arg6[%mul3A_2] : memref<160000xi32, #tpu.memory_space<hbm>> -> memref<5000xi32, #tpu.memory_space<hbm>>
      tpu.enqueue_dma source(%dma_start3A_56 : memref<5000xi32, #tpu.memory_space<hbm>>) target(%arg11 : memref<5000xi32, #tpu.memory_space<vmem>>) target_semaphore(%run_scoped3A_55 : memref<!tpu.dma_semaphore, #tpu.memory_space<semaphore_mem>>)
      %dma_wait3A = tpu.memref_slice %arg6[%mul3A_2] : memref<160000xi32, #tpu.memory_space<hbm>> -> memref<5000xi32, #tpu.memory_space<hbm>>
      %dma_wait3A_57 = tpu.memref_slice %arg6[%mul3A_2] : memref<160000xi32, #tpu.memory_space<hbm>> -> memref<5000xi32, #tpu.memory_space<hbm>>
      tpu.wait_dma2 semaphore(%run_scoped3A_55 : memref<!tpu.dma_semaphore, #tpu.memory_space<semaphore_mem>>) src(%dma_wait3A_57 : memref<5000xi32, #tpu.memory_space<hbm>>) dst(%arg11 : memref<5000xi32, #tpu.memory_space<vmem>>)
      tpu.yield
    }) : () -> ()
    "tpu.region"() ({
      %run_scoped3A_55 = tpu.sem_alloc : memref<!tpu.dma_semaphore, #tpu.memory_space<semaphore_mem>>
      %dma_start3A = arith.constant 0 : i32
      %dma_start3A_56 = tpu.memref_slice %arg18[%dma_start3A] : memref<160000xf32, #tpu.memory_space<vmem_shared>> -> memref<160000xf32, #tpu.memory_space<vmem_shared>>
      tpu.enqueue_indirect_dma source(%dma_start3A_56 : memref<160000xf32, #tpu.memory_space<vmem_shared>>) target(%arg13 : memref<5000xf32, #tpu.memory_space<vmem>>) offsets(%arg10 : memref<5000xi32, #tpu.memory_space<vmem>>) semaphore(%run_scoped3A_55 : memref<!tpu.dma_semaphore, #tpu.memory_space<semaphore_mem>>)
      %dma_wait3A = arith.constant 0 : i32
      %dma_wait3A_57 = tpu.memref_slice %arg18[%dma_wait3A] : memref<160000xf32, #tpu.memory_space<vmem_shared>> -> memref<160000xf32, #tpu.memory_space<vmem_shared>>
      tpu.wait_indirect_dma semaphore(%run_scoped3A_55 : memref<!tpu.dma_semaphore, #tpu.memory_space<semaphore_mem>>) src(%dma_wait3A_57 : memref<160000xf32, #tpu.memory_space<vmem_shared>>) dst(%arg13 : memref<5000xf32, #tpu.memory_space<vmem>>)
      tpu.yield
    }) : () -> ()
    %scan3A_10 = arith.constant 0 : i32
    %scan3A_11 = arith.constant 312 : i32
    %scan3A_12 = arith.addi %scan3A_10, %scan3A_11 : i32
    %scan3A_13 = arith.constant 1 : i32
    scf.for %scan3A_55 = %scan3A_10 to %scan3A_12 step %scan3A_13  : i32 {
      %mul3A_56 = arith.constant 16 : i32
      %mul3A_57 = arith.muli %scan3A_55, %mul3A_56 : i32
      %add3A_58 = arith.constant 0 : i32
      %add3A_59 = arith.addi %add3A_58, %mul3A_57 : i32
      %get3A_60 = arith.index_cast %add3A_59 : i32 to index
      %get3A_61 = tpu.vector_load %arg11[%get3A_60] {strides = array<i32>} : memref<5000xi32, #tpu.memory_space<vmem>>, vector<16xi32>,
      %get3A_62 = vector.shape_cast %get3A_61 : vector<16xi32> to vector<16xi32>
      %max3A_63 = arith.constant 0 : i32
      %max3A_64 = vector.broadcast %max3A_63 : i32 to vector<16xi32>
      %max3A_65 = arith.maxsi %get3A_62, %max3A_64 : vector<16xi32>
      %swap3A_66 = arith.index_cast %add3A_59 : i32 to index
      %swap3A_67 = tpu.vector_load %arg12[%swap3A_66] {strides = array<i32>} : memref<5000xi32, #tpu.memory_space<vmem>>, vector<16xi32>,
      %swap3A_68 = vector.shape_cast %swap3A_67 : vector<16xi32> to vector<16xi32>
      %swap3A_69 = vector.shape_cast %max3A_65 : vector<16xi32> to vector<16xi32>
      tpu.vector_store %arg12[%swap3A_66], %swap3A_69 {strides = array<i32>} : memref<5000xi32, #tpu.memory_space<vmem>>, vector<16xi32>,
    }
    %scan3A_14 = arith.constant 312 : i32
    %get3A = arith.constant 4984 : index
    %get3A_15 = tpu.vector_load %arg11[%get3A] {strides = array<i32>} : memref<5000xi32, #tpu.memory_space<vmem>>, vector<16xi32>,
    %get3A_16 = vector.shape_cast %get3A_15 : vector<16xi32> to vector<16xi32>
    %max3A = arith.constant 0 : i32
    %max3A_17 = vector.broadcast %max3A : i32 to vector<16xi32>
    %max3A_18 = arith.maxsi %get3A_16, %max3A_17 : vector<16xi32>
    %swap3A = arith.constant 4984 : index
    %swap3A_19 = tpu.vector_load %arg12[%swap3A] {strides = array<i32>} : memref<5000xi32, #tpu.memory_space<vmem>>, vector<16xi32>,
    %swap3A_20 = vector.shape_cast %swap3A_19 : vector<16xi32> to vector<16xi32>
    %swap3A_21 = vector.shape_cast %max3A_18 : vector<16xi32> to vector<16xi32>
    tpu.vector_store %arg12[%swap3A], %swap3A_21 {strides = array<i32>} : memref<5000xi32, #tpu.memory_space<vmem>>, vector<16xi32>,
    "tpu.region"() ({
      %run_scoped3A_55 = tpu.sem_alloc : memref<!tpu.dma_semaphore, #tpu.memory_space<semaphore_mem>>
      %dma_start3A = arith.constant 0 : i32
      %dma_start3A_56 = tpu.memref_slice %arg18[%dma_start3A] : memref<160000xf32, #tpu.memory_space<vmem_shared>> -> memref<160000xf32, #tpu.memory_space<vmem_shared>>
      tpu.enqueue_indirect_dma source(%dma_start3A_56 : memref<160000xf32, #tpu.memory_space<vmem_shared>>) target(%arg14 : memref<5000xf32, #tpu.memory_space<vmem>>) offsets(%arg12 : memref<5000xi32, #tpu.memory_space<vmem>>) semaphore(%run_scoped3A_55 : memref<!tpu.dma_semaphore, #tpu.memory_space<semaphore_mem>>)
      %dma_wait3A = arith.constant 0 : i32
      %dma_wait3A_57 = tpu.memref_slice %arg18[%dma_wait3A] : memref<160000xf32, #tpu.memory_space<vmem_shared>> -> memref<160000xf32, #tpu.memory_space<vmem_shared>>
      tpu.wait_indirect_dma semaphore(%run_scoped3A_55 : memref<!tpu.dma_semaphore, #tpu.memory_space<semaphore_mem>>) src(%dma_wait3A_57 : memref<160000xf32, #tpu.memory_space<vmem_shared>>) dst(%arg14 : memref<5000xf32, #tpu.memory_space<vmem>>)
      tpu.yield
    }) : () -> ()
    %scan3A_22 = arith.constant 0 : i32
    %scan3A_23 = arith.constant 312 : i32
    %scan3A_24 = arith.addi %scan3A_22, %scan3A_23 : i32
    %scan3A_25 = arith.constant 1 : i32
    scf.for %scan3A_55 = %scan3A_22 to %scan3A_24 step %scan3A_25  : i32 {
      %mul3A_56 = arith.constant 16 : i32
      %mul3A_57 = arith.muli %scan3A_55, %mul3A_56 : i32
      %add3A_58 = arith.constant 0 : i32
      %add3A_59 = arith.addi %add3A_58, %mul3A_57 : i32
      %get3A_60 = arith.index_cast %add3A_59 : i32 to index
      %get3A_61 = tpu.vector_load %arg11[%get3A_60] {strides = array<i32>} : memref<5000xi32, #tpu.memory_space<vmem>>, vector<16xi32>,
      %get3A_62 = vector.shape_cast %get3A_61 : vector<16xi32> to vector<16xi32>
      %ge3A_63 = arith.constant 0 : i32
      %ge3A_64 = vector.broadcast %ge3A_63 : i32 to vector<16xi32>
      %ge3A_65 = arith.cmpi sge, %get3A_62, %ge3A_64 : vector<16xi32>
      %get3A_66 = arith.index_cast %add3A_59 : i32 to index
      %get3A_67 = tpu.vector_load %arg14[%get3A_66] {strides = array<i32>} : memref<5000xf32, #tpu.memory_space<vmem>>, vector<16xf32>,
      %get3A_68 = vector.shape_cast %get3A_67 : vector<16xf32> to vector<16xf32>
      %jit3A_69 = arith.constant 0.000000e+00 : f32
      %broadcast_in_dim3A_70 = vector.broadcast %jit3A_69 : f32 to vector<16xf32>
      %select_n3A_71 = arith.select %ge3A_65, %get3A_68, %broadcast_in_dim3A_70 : vector<16xi1>, vector<16xf32>
      %get3A_72 = arith.index_cast %add3A_59 : i32 to index
      %get3A_73 = tpu.vector_load %arg13[%get3A_72] {strides = array<i32>} : memref<5000xf32, #tpu.memory_space<vmem>>, vector<16xf32>,
      %get3A_74 = vector.shape_cast %get3A_73 : vector<16xf32> to vector<16xf32>
      %add3A_75 = arith.addf %get3A_74, %select_n3A_71 : vector<16xf32>
      %mul3A_76 = arith.constant 5.000000e-01 : f32
      %mul3A_77 = vector.broadcast %mul3A_76 : f32 to vector<16xf32>
      %mul3A_78 = arith.mulf %mul3A_77, %add3A_75 : vector<16xf32>
      %get3A_79 = arith.index_cast %add3A_59 : i32 to index
      %get3A_80 = tpu.vector_load %arg8[%get3A_79] {strides = array<i32>} : memref<5000xi32, #tpu.memory_space<vmem>>, vector<16xi32>,
      %get3A_81 = vector.shape_cast %get3A_80 : vector<16xi32> to vector<16xi32>
      %get3A_82 = arith.index_cast %add3A_59 : i32 to index
      %get3A_83 = tpu.vector_load %arg9[%get3A_82] {strides = array<i32>} : memref<5000xi32, #tpu.memory_space<vmem>>, vector<16xi32>,
      %get3A_84 = vector.shape_cast %get3A_83 : vector<16xi32> to vector<16xi32>
      %eq3A_85 = arith.cmpi eq, %get3A_81, %get3A_84 : vector<16xi32>
      %jit3A_86 = arith.constant 0.000000e+00 : f32
      %broadcast_in_dim3A_87 = vector.broadcast %jit3A_86 : f32 to vector<16xf32>
      %select_n3A_88 = arith.select %eq3A_85, %broadcast_in_dim3A_87, %mul3A_78 : vector<16xi1>, vector<16xf32>
      %swap3A_89 = arith.index_cast %add3A_59 : i32 to index
      %swap3A_90 = tpu.vector_load %arg15[%swap3A_89] {strides = array<i32>} : memref<5000xf32, #tpu.memory_space<vmem>>, vector<16xf32>,
      %swap3A_91 = vector.shape_cast %swap3A_90 : vector<16xf32> to vector<16xf32>
      %swap3A_92 = vector.shape_cast %select_n3A_88 : vector<16xf32> to vector<16xf32>
      tpu.vector_store %arg15[%swap3A_89], %swap3A_92 {strides = array<i32>} : memref<5000xf32, #tpu.memory_space<vmem>>, vector<16xf32>,
    }
    %scan3A_26 = arith.constant 312 : i32
    %get3A_27 = arith.constant 4984 : index
    %get3A_28 = tpu.vector_load %arg11[%get3A_27] {strides = array<i32>} : memref<5000xi32, #tpu.memory_space<vmem>>, vector<16xi32>,
    %get3A_29 = vector.shape_cast %get3A_28 : vector<16xi32> to vector<16xi32>
    %ge3A = arith.constant 0 : i32
    %ge3A_30 = vector.broadcast %ge3A : i32 to vector<16xi32>
    %ge3A_31 = arith.cmpi sge, %get3A_29, %ge3A_30 : vector<16xi32>
    %get3A_32 = arith.constant 4984 : index
    %get3A_33 = tpu.vector_load %arg14[%get3A_32] {strides = array<i32>} : memref<5000xf32, #tpu.memory_space<vmem>>, vector<16xf32>,
    %get3A_34 = vector.shape_cast %get3A_33 : vector<16xf32> to vector<16xf32>
    %jit3A = arith.constant 0.000000e+00 : f32
    %broadcast_in_dim3A = vector.broadcast %jit3A : f32 to vector<16xf32>
    %select_n3A = arith.select %ge3A_31, %get3A_34, %broadcast_in_dim3A : vector<16xi1>, vector<16xf32>
    %get3A_35 = arith.constant 4984 : index
    %get3A_36 = tpu.vector_load %arg13[%get3A_35] {strides = array<i32>} : memref<5000xf32, #tpu.memory_space<vmem>>, vector<16xf32>,
    %get3A_37 = vector.shape_cast %get3A_36 : vector<16xf32> to vector<16xf32>
    %add3A_38 = arith.addf %get3A_37, %select_n3A : vector<16xf32>
    %mul3A_39 = arith.constant 5.000000e-01 : f32
    %mul3A_40 = vector.broadcast %mul3A_39 : f32 to vector<16xf32>
    %mul3A_41 = arith.mulf %mul3A_40, %add3A_38 : vector<16xf32>
    %get3A_42 = arith.constant 4984 : index
    %get3A_43 = tpu.vector_load %arg8[%get3A_42] {strides = array<i32>} : memref<5000xi32, #tpu.memory_space<vmem>>, vector<16xi32>,
    %get3A_44 = vector.shape_cast %get3A_43 : vector<16xi32> to vector<16xi32>
    %get3A_45 = arith.constant 4984 : index
    %get3A_46 = tpu.vector_load %arg9[%get3A_45] {strides = array<i32>} : memref<5000xi32, #tpu.memory_space<vmem>>, vector<16xi32>,
    %get3A_47 = vector.shape_cast %get3A_46 : vector<16xi32> to vector<16xi32>
    %eq3A = arith.cmpi eq, %get3A_44, %get3A_47 : vector<16xi32>
    %jit3A_48 = arith.constant 0.000000e+00 : f32
    %broadcast_in_dim3A_49 = vector.broadcast %jit3A_48 : f32 to vector<16xf32>
    %select_n3A_50 = arith.select %eq3A, %broadcast_in_dim3A_49, %mul3A_41 : vector<16xi1>, vector<16xf32>
    %swap3A_51 = arith.constant 4984 : index
    %swap3A_52 = tpu.vector_load %arg15[%swap3A_51] {strides = array<i32>} : memref<5000xf32, #tpu.memory_space<vmem>>, vector<16xf32>,
    %swap3A_53 = vector.shape_cast %swap3A_52 : vector<16xf32> to vector<16xf32>
    %swap3A_54 = vector.shape_cast %select_n3A_50 : vector<16xf32> to vector<16xf32>
    tpu.vector_store %arg15[%swap3A_51], %swap3A_54 {strides = array<i32>} : memref<5000xf32, #tpu.memory_space<vmem>>, vector<16xf32>,
    "tpu.region"() ({
      %run_scoped3A_55 = tpu.sem_alloc : memref<!tpu.dma_semaphore, #tpu.memory_space<semaphore_mem>>
      %dma_start3A = tpu.memref_slice %arg7[%mul3A_2] : memref<160000xf32, #tpu.memory_space<hbm>> -> memref<5000xf32, #tpu.memory_space<hbm>>
      %dma_start3A_56 = tpu.memref_slice %arg7[%mul3A_2] : memref<160000xf32, #tpu.memory_space<hbm>> -> memref<5000xf32, #tpu.memory_space<hbm>>
      tpu.enqueue_dma source(%arg15 : memref<5000xf32, #tpu.memory_space<vmem>>) target(%dma_start3A_56 : memref<5000xf32, #tpu.memory_space<hbm>>) target_semaphore(%run_scoped3A_55 : memref<!tpu.dma_semaphore, #tpu.memory_space<semaphore_mem>>)
      %dma_wait3A = tpu.memref_slice %arg7[%mul3A_2] : memref<160000xf32, #tpu.memory_space<hbm>> -> memref<5000xf32, #tpu.memory_space<hbm>>
      %dma_wait3A_57 = tpu.memref_slice %arg7[%mul3A_2] : memref<160000xf32, #tpu.memory_space<hbm>> -> memref<5000xf32, #tpu.memory_space<hbm>>
      tpu.wait_dma2 semaphore(%run_scoped3A_55 : memref<!tpu.dma_semaphore, #tpu.memory_space<semaphore_mem>>) src(%arg15 : memref<5000xf32, #tpu.memory_space<vmem>>) dst(%dma_wait3A_57 : memref<5000xf32, #tpu.memory_space<hbm>>)
      tpu.yield
    }) : () -> ()
    return
  }
}

#map = affine_map<(d0, d1) -> (0, 0)>
#map1 = affine_map<(d0, d1) -> (0)>
module attributes {stable_mosaic.version = 14 : i64} {
  func.func @_sc_gather_body(%arg0: i32, %arg1: i32, %arg2: memref<10000x64xf32, #tpu.memory_space<hbm>>, %arg3: memref<10000x64xf32, #tpu.memory_space<hbm>>, %arg4: memref<10000x16xf32, #tpu.memory_space<hbm>>, %arg5: memref<160000xi32, #tpu.memory_space<hbm>>, %arg6: memref<160000xi32, #tpu.memory_space<hbm>>, %arg7: memref<160000xi32, #tpu.memory_space<hbm>>, %arg8: memref<160000x64xf32, #tpu.memory_space<hbm>>, %arg9: memref<160000x64xf32, #tpu.memory_space<hbm>>, %arg10: memref<160000x16xf32, #tpu.memory_space<hbm>>, %arg11: memref<100000000xi32, #tpu.memory_space<hbm>>, %arg12: memref<1000xi32, #tpu.memory_space<vmem>>, %arg13: memref<1000x64xf32, #tpu.memory_space<vmem>>, %arg14: memref<1000x16xf32, #tpu.memory_space<vmem>>, %arg15: memref<5000xi32, #tpu.memory_space<vmem>>, %arg16: memref<5000xi32, #tpu.memory_space<vmem>>, %arg17: memref<!tpu.dma_semaphore, #tpu.memory_space<semaphore_mem>>, %arg18: memref<!tpu.dma_semaphore, #tpu.memory_space<semaphore_mem>>) attributes {dimension_semantics = [#tpu.dimension_semantics<core_parallel>, #tpu.dimension_semantics<subcore_parallel>], iteration_bounds = array<i64: 2, 16>, scalar_prefetch = 0 : i64, scratch_operands = 7 : i64, tpu.core_type = #tpu.core_type<sc_vector_subcore>, window_params = [{transform_indices = #map}, {transform_indices = #map}, {transform_indices = #map}, {transform_indices = #map1}, {transform_indices = #map1}, {transform_indices = #map1}, {transform_indices = #map}, {transform_indices = #map}, {transform_indices = #map}, {transform_indices = #map1}]} {
    %mul3A = arith.constant 2 : i32
    %mul3A_0 = arith.muli %arg1, %mul3A : i32
    %add3A = arith.addi %mul3A_0, %arg0 : i32
    %mul3A_1 = arith.constant 5000 : i32
    %mul3A_2 = arith.muli %add3A, %mul3A_1 : i32
    "tpu.region"() ({
      %run_scoped3A = tpu.sem_alloc : memref<!tpu.dma_semaphore, #tpu.memory_space<semaphore_mem>>
      %dma_start3A_21 = tpu.memref_slice %arg7[%mul3A_2] : memref<160000xi32, #tpu.memory_space<hbm>> -> memref<5000xi32, #tpu.memory_space<hbm>>
      %dma_start3A_22 = tpu.memref_slice %arg7[%mul3A_2] : memref<160000xi32, #tpu.memory_space<hbm>> -> memref<5000xi32, #tpu.memory_space<hbm>>
      tpu.enqueue_dma source(%dma_start3A_22 : memref<5000xi32, #tpu.memory_space<hbm>>) target(%arg15 : memref<5000xi32, #tpu.memory_space<vmem>>) target_semaphore(%run_scoped3A : memref<!tpu.dma_semaphore, #tpu.memory_space<semaphore_mem>>)
      %dma_wait3A_23 = tpu.memref_slice %arg7[%mul3A_2] : memref<160000xi32, #tpu.memory_space<hbm>> -> memref<5000xi32, #tpu.memory_space<hbm>>
      %dma_wait3A_24 = tpu.memref_slice %arg7[%mul3A_2] : memref<160000xi32, #tpu.memory_space<hbm>> -> memref<5000xi32, #tpu.memory_space<hbm>>
      tpu.wait_dma2 semaphore(%run_scoped3A : memref<!tpu.dma_semaphore, #tpu.memory_space<semaphore_mem>>) src(%dma_wait3A_24 : memref<5000xi32, #tpu.memory_space<hbm>>) dst(%arg15 : memref<5000xi32, #tpu.memory_space<vmem>>)
      tpu.yield
    }) : () -> ()
    %scan3A = arith.constant 0 : i32
    %scan3A_3 = arith.constant 312 : i32
    %scan3A_4 = arith.addi %scan3A, %scan3A_3 : i32
    %scan3A_5 = arith.constant 1 : i32
    scf.for %scan3A_21 = %scan3A to %scan3A_4 step %scan3A_5  : i32 {
      %mul3A_22 = arith.constant 16 : i32
      %mul3A_23 = arith.muli %scan3A_21, %mul3A_22 : i32
      %add3A_24 = arith.constant 0 : i32
      %add3A_25 = arith.addi %add3A_24, %mul3A_23 : i32
      %iota3A_26 = tpu.iota {dimensions = array<i32: 0>} : vector<16xi32>
      %add3A_27 = arith.addi %mul3A_2, %add3A_25 : i32
      %add3A_28 = vector.broadcast %add3A_27 : i32 to vector<16xi32>
      %add3A_29 = arith.addi %iota3A_26, %add3A_28 : vector<16xi32>
      %swap3A_30 = arith.index_cast %add3A_25 : i32 to index
      %swap3A_31 = tpu.vector_load %arg16[%swap3A_30] {strides = array<i32>} : memref<5000xi32, #tpu.memory_space<vmem>>, vector<16xi32>,
      %swap3A_32 = vector.shape_cast %swap3A_31 : vector<16xi32> to vector<16xi32>
      %swap3A_33 = vector.shape_cast %add3A_29 : vector<16xi32> to vector<16xi32>
      tpu.vector_store %arg16[%swap3A_30], %swap3A_33 {strides = array<i32>} : memref<5000xi32, #tpu.memory_space<vmem>>, vector<16xi32>,
    }
    %scan3A_6 = arith.constant 312 : i32
    %iota3A = tpu.iota {dimensions = array<i32: 0>} : vector<16xi32>
    %add3A_7 = arith.constant 4984 : i32
    %add3A_8 = arith.addi %mul3A_2, %add3A_7 : i32
    %add3A_9 = vector.broadcast %add3A_8 : i32 to vector<16xi32>
    %add3A_10 = arith.addi %iota3A, %add3A_9 : vector<16xi32>
    %swap3A = arith.constant 4984 : index
    %swap3A_11 = tpu.vector_load %arg16[%swap3A] {strides = array<i32>} : memref<5000xi32, #tpu.memory_space<vmem>>, vector<16xi32>,
    %swap3A_12 = vector.shape_cast %swap3A_11 : vector<16xi32> to vector<16xi32>
    %swap3A_13 = vector.shape_cast %add3A_10 : vector<16xi32> to vector<16xi32>
    tpu.vector_store %arg16[%swap3A], %swap3A_13 {strides = array<i32>} : memref<5000xi32, #tpu.memory_space<vmem>>, vector<16xi32>,
    %dma_start3A = arith.constant 0 : i32
    %dma_start3A_14 = tpu.memref_slice %arg11[%dma_start3A] : memref<100000000xi32, #tpu.memory_space<hbm>> -> memref<100000000xi32, #tpu.memory_space<hbm>>
    tpu.enqueue_indirect_dma source(%arg16 : memref<5000xi32, #tpu.memory_space<vmem>>) target(%dma_start3A_14 : memref<100000000xi32, #tpu.memory_space<hbm>>) offsets(%arg15 : memref<5000xi32, #tpu.memory_space<vmem>>) semaphore(%arg18 : memref<!tpu.dma_semaphore, #tpu.memory_space<semaphore_mem>>)
    %scan3A_15 = arith.constant 0 : i32
    %scan3A_16 = arith.constant 5 : i32
    %scan3A_17 = arith.addi %scan3A_15, %scan3A_16 : i32
    %scan3A_18 = arith.constant 1 : i32
    scf.for %scan3A_21 = %scan3A_15 to %scan3A_17 step %scan3A_18  : i32 {
      %mul3A_22 = arith.constant 1000 : i32
      %mul3A_23 = arith.muli %scan3A_21, %mul3A_22 : i32
      %add3A_24 = arith.constant 0 : i32
      %add3A_25 = arith.addi %add3A_24, %mul3A_23 : i32
      %add3A_26 = arith.addi %mul3A_2, %add3A_25 : i32
      "tpu.region"() ({
        %run_scoped3A = tpu.sem_alloc : memref<!tpu.dma_semaphore, #tpu.memory_space<semaphore_mem>>
        %dma_start3A_45 = tpu.memref_slice %arg5[%add3A_26] : memref<160000xi32, #tpu.memory_space<hbm>> -> memref<1000xi32, #tpu.memory_space<hbm>>
        %dma_start3A_46 = tpu.memref_slice %arg5[%add3A_26] : memref<160000xi32, #tpu.memory_space<hbm>> -> memref<1000xi32, #tpu.memory_space<hbm>>
        tpu.enqueue_dma source(%dma_start3A_46 : memref<1000xi32, #tpu.memory_space<hbm>>) target(%arg12 : memref<1000xi32, #tpu.memory_space<vmem>>) target_semaphore(%run_scoped3A : memref<!tpu.dma_semaphore, #tpu.memory_space<semaphore_mem>>)
        %dma_wait3A_47 = tpu.memref_slice %arg5[%add3A_26] : memref<160000xi32, #tpu.memory_space<hbm>> -> memref<1000xi32, #tpu.memory_space<hbm>>
        %dma_wait3A_48 = tpu.memref_slice %arg5[%add3A_26] : memref<160000xi32, #tpu.memory_space<hbm>> -> memref<1000xi32, #tpu.memory_space<hbm>>
        tpu.wait_dma2 semaphore(%run_scoped3A : memref<!tpu.dma_semaphore, #tpu.memory_space<semaphore_mem>>) src(%dma_wait3A_48 : memref<1000xi32, #tpu.memory_space<hbm>>) dst(%arg12 : memref<1000xi32, #tpu.memory_space<vmem>>)
        tpu.yield
      }) : () -> ()
      %dma_start3A_27 = arith.constant 0 : i32
      %dma_start3A_28 = arith.constant 0 : i32
      %dma_start3A_29 = tpu.memref_slice %arg2[%dma_start3A_27, %dma_start3A_28] : memref<10000x64xf32, #tpu.memory_space<hbm>> -> memref<10000x64xf32, #tpu.memory_space<hbm>>
      tpu.enqueue_indirect_dma source(%dma_start3A_29 : memref<10000x64xf32, #tpu.memory_space<hbm>>) target(%arg13 : memref<1000x64xf32, #tpu.memory_space<vmem>>) offsets(%arg12 : memref<1000xi32, #tpu.memory_space<vmem>>) semaphore(%arg17 : memref<!tpu.dma_semaphore, #tpu.memory_space<semaphore_mem>>)
      %dma_wait3A_30 = arith.constant 0 : i32
      %dma_wait3A_31 = arith.constant 0 : i32
      %dma_wait3A_32 = tpu.memref_slice %arg2[%dma_wait3A_30, %dma_wait3A_31] : memref<10000x64xf32, #tpu.memory_space<hbm>> -> memref<10000x64xf32, #tpu.memory_space<hbm>>
      tpu.wait_indirect_dma semaphore(%arg17 : memref<!tpu.dma_semaphore, #tpu.memory_space<semaphore_mem>>) src(%dma_wait3A_32 : memref<10000x64xf32, #tpu.memory_space<hbm>>) dst(%arg13 : memref<1000x64xf32, #tpu.memory_space<vmem>>)
      "tpu.region"() ({
        %run_scoped3A = tpu.sem_alloc : memref<!tpu.dma_semaphore, #tpu.memory_space<semaphore_mem>>
        %dma_start3A_45 = arith.constant 0 : i32
        %dma_start3A_46 = tpu.memref_slice %arg8[%add3A_26, %dma_start3A_45] : memref<160000x64xf32, #tpu.memory_space<hbm>> -> memref<1000x64xf32, #tpu.memory_space<hbm>>
        %dma_start3A_47 = arith.constant 0 : i32
        %dma_start3A_48 = tpu.memref_slice %arg8[%add3A_26, %dma_start3A_47] : memref<160000x64xf32, #tpu.memory_space<hbm>> -> memref<1000x64xf32, #tpu.memory_space<hbm>>
        tpu.enqueue_dma source(%arg13 : memref<1000x64xf32, #tpu.memory_space<vmem>>) target(%dma_start3A_48 : memref<1000x64xf32, #tpu.memory_space<hbm>>) target_semaphore(%run_scoped3A : memref<!tpu.dma_semaphore, #tpu.memory_space<semaphore_mem>>)
        %dma_wait3A_49 = arith.constant 0 : i32
        %dma_wait3A_50 = tpu.memref_slice %arg8[%add3A_26, %dma_wait3A_49] : memref<160000x64xf32, #tpu.memory_space<hbm>> -> memref<1000x64xf32, #tpu.memory_space<hbm>>
        %dma_wait3A_51 = arith.constant 0 : i32
        %dma_wait3A_52 = tpu.memref_slice %arg8[%add3A_26, %dma_wait3A_51] : memref<160000x64xf32, #tpu.memory_space<hbm>> -> memref<1000x64xf32, #tpu.memory_space<hbm>>
        tpu.wait_dma2 semaphore(%run_scoped3A : memref<!tpu.dma_semaphore, #tpu.memory_space<semaphore_mem>>) src(%arg13 : memref<1000x64xf32, #tpu.memory_space<vmem>>) dst(%dma_wait3A_52 : memref<1000x64xf32, #tpu.memory_space<hbm>>)
        tpu.yield
      }) : () -> ()
      "tpu.region"() ({
        %run_scoped3A = tpu.sem_alloc : memref<!tpu.dma_semaphore, #tpu.memory_space<semaphore_mem>>
        %dma_start3A_45 = tpu.memref_slice %arg6[%add3A_26] : memref<160000xi32, #tpu.memory_space<hbm>> -> memref<1000xi32, #tpu.memory_space<hbm>>
        %dma_start3A_46 = tpu.memref_slice %arg6[%add3A_26] : memref<160000xi32, #tpu.memory_space<hbm>> -> memref<1000xi32, #tpu.memory_space<hbm>>
        tpu.enqueue_dma source(%dma_start3A_46 : memref<1000xi32, #tpu.memory_space<hbm>>) target(%arg12 : memref<1000xi32, #tpu.memory_space<vmem>>) target_semaphore(%run_scoped3A : memref<!tpu.dma_semaphore, #tpu.memory_space<semaphore_mem>>)
        %dma_wait3A_47 = tpu.memref_slice %arg6[%add3A_26] : memref<160000xi32, #tpu.memory_space<hbm>> -> memref<1000xi32, #tpu.memory_space<hbm>>
        %dma_wait3A_48 = tpu.memref_slice %arg6[%add3A_26] : memref<160000xi32, #tpu.memory_space<hbm>> -> memref<1000xi32, #tpu.memory_space<hbm>>
        tpu.wait_dma2 semaphore(%run_scoped3A : memref<!tpu.dma_semaphore, #tpu.memory_space<semaphore_mem>>) src(%dma_wait3A_48 : memref<1000xi32, #tpu.memory_space<hbm>>) dst(%arg12 : memref<1000xi32, #tpu.memory_space<vmem>>)
        tpu.yield
      }) : () -> ()
      %dma_start3A_33 = arith.constant 0 : i32
      %dma_start3A_34 = arith.constant 0 : i32
      %dma_start3A_35 = tpu.memref_slice %arg3[%dma_start3A_33, %dma_start3A_34] : memref<10000x64xf32, #tpu.memory_space<hbm>> -> memref<10000x64xf32, #tpu.memory_space<hbm>>
      tpu.enqueue_indirect_dma source(%dma_start3A_35 : memref<10000x64xf32, #tpu.memory_space<hbm>>) target(%arg13 : memref<1000x64xf32, #tpu.memory_space<vmem>>) offsets(%arg12 : memref<1000xi32, #tpu.memory_space<vmem>>) semaphore(%arg17 : memref<!tpu.dma_semaphore, #tpu.memory_space<semaphore_mem>>)
      %dma_wait3A_36 = arith.constant 0 : i32
      %dma_wait3A_37 = arith.constant 0 : i32
      %dma_wait3A_38 = tpu.memref_slice %arg3[%dma_wait3A_36, %dma_wait3A_37] : memref<10000x64xf32, #tpu.memory_space<hbm>> -> memref<10000x64xf32, #tpu.memory_space<hbm>>
      tpu.wait_indirect_dma semaphore(%arg17 : memref<!tpu.dma_semaphore, #tpu.memory_space<semaphore_mem>>) src(%dma_wait3A_38 : memref<10000x64xf32, #tpu.memory_space<hbm>>) dst(%arg13 : memref<1000x64xf32, #tpu.memory_space<vmem>>)
      "tpu.region"() ({
        %run_scoped3A = tpu.sem_alloc : memref<!tpu.dma_semaphore, #tpu.memory_space<semaphore_mem>>
        %dma_start3A_45 = arith.constant 0 : i32
        %dma_start3A_46 = tpu.memref_slice %arg9[%add3A_26, %dma_start3A_45] : memref<160000x64xf32, #tpu.memory_space<hbm>> -> memref<1000x64xf32, #tpu.memory_space<hbm>>
        %dma_start3A_47 = arith.constant 0 : i32
        %dma_start3A_48 = tpu.memref_slice %arg9[%add3A_26, %dma_start3A_47] : memref<160000x64xf32, #tpu.memory_space<hbm>> -> memref<1000x64xf32, #tpu.memory_space<hbm>>
        tpu.enqueue_dma source(%arg13 : memref<1000x64xf32, #tpu.memory_space<vmem>>) target(%dma_start3A_48 : memref<1000x64xf32, #tpu.memory_space<hbm>>) target_semaphore(%run_scoped3A : memref<!tpu.dma_semaphore, #tpu.memory_space<semaphore_mem>>)
        %dma_wait3A_49 = arith.constant 0 : i32
        %dma_wait3A_50 = tpu.memref_slice %arg9[%add3A_26, %dma_wait3A_49] : memref<160000x64xf32, #tpu.memory_space<hbm>> -> memref<1000x64xf32, #tpu.memory_space<hbm>>
        %dma_wait3A_51 = arith.constant 0 : i32
        %dma_wait3A_52 = tpu.memref_slice %arg9[%add3A_26, %dma_wait3A_51] : memref<160000x64xf32, #tpu.memory_space<hbm>> -> memref<1000x64xf32, #tpu.memory_space<hbm>>
        tpu.wait_dma2 semaphore(%run_scoped3A : memref<!tpu.dma_semaphore, #tpu.memory_space<semaphore_mem>>) src(%arg13 : memref<1000x64xf32, #tpu.memory_space<vmem>>) dst(%dma_wait3A_52 : memref<1000x64xf32, #tpu.memory_space<hbm>>)
        tpu.yield
      }) : () -> ()
      %dma_start3A_39 = arith.constant 0 : i32
      %dma_start3A_40 = arith.constant 0 : i32
      %dma_start3A_41 = tpu.memref_slice %arg4[%dma_start3A_39, %dma_start3A_40] : memref<10000x16xf32, #tpu.memory_space<hbm>> -> memref<10000x16xf32, #tpu.memory_space<hbm>>
      tpu.enqueue_indirect_dma source(%dma_start3A_41 : memref<10000x16xf32, #tpu.memory_space<hbm>>) target(%arg14 : memref<1000x16xf32, #tpu.memory_space<vmem>>) offsets(%arg12 : memref<1000xi32, #tpu.memory_space<vmem>>) semaphore(%arg17 : memref<!tpu.dma_semaphore, #tpu.memory_space<semaphore_mem>>)
      %dma_wait3A_42 = arith.constant 0 : i32
      %dma_wait3A_43 = arith.constant 0 : i32
      %dma_wait3A_44 = tpu.memref_slice %arg4[%dma_wait3A_42, %dma_wait3A_43] : memref<10000x16xf32, #tpu.memory_space<hbm>> -> memref<10000x16xf32, #tpu.memory_space<hbm>>
      tpu.wait_indirect_dma semaphore(%arg17 : memref<!tpu.dma_semaphore, #tpu.memory_space<semaphore_mem>>) src(%dma_wait3A_44 : memref<10000x16xf32, #tpu.memory_space<hbm>>) dst(%arg14 : memref<1000x16xf32, #tpu.memory_space<vmem>>)
      "tpu.region"() ({
        %run_scoped3A = tpu.sem_alloc : memref<!tpu.dma_semaphore, #tpu.memory_space<semaphore_mem>>
        %dma_start3A_45 = arith.constant 0 : i32
        %dma_start3A_46 = tpu.memref_slice %arg10[%add3A_26, %dma_start3A_45] : memref<160000x16xf32, #tpu.memory_space<hbm>> -> memref<1000x16xf32, #tpu.memory_space<hbm>>
        %dma_start3A_47 = arith.constant 0 : i32
        %dma_start3A_48 = tpu.memref_slice %arg10[%add3A_26, %dma_start3A_47] : memref<160000x16xf32, #tpu.memory_space<hbm>> -> memref<1000x16xf32, #tpu.memory_space<hbm>>
        tpu.enqueue_dma source(%arg14 : memref<1000x16xf32, #tpu.memory_space<vmem>>) target(%dma_start3A_48 : memref<1000x16xf32, #tpu.memory_space<hbm>>) target_semaphore(%run_scoped3A : memref<!tpu.dma_semaphore, #tpu.memory_space<semaphore_mem>>)
        %dma_wait3A_49 = arith.constant 0 : i32
        %dma_wait3A_50 = tpu.memref_slice %arg10[%add3A_26, %dma_wait3A_49] : memref<160000x16xf32, #tpu.memory_space<hbm>> -> memref<1000x16xf32, #tpu.memory_space<hbm>>
        %dma_wait3A_51 = arith.constant 0 : i32
        %dma_wait3A_52 = tpu.memref_slice %arg10[%add3A_26, %dma_wait3A_51] : memref<160000x16xf32, #tpu.memory_space<hbm>> -> memref<1000x16xf32, #tpu.memory_space<hbm>>
        tpu.wait_dma2 semaphore(%run_scoped3A : memref<!tpu.dma_semaphore, #tpu.memory_space<semaphore_mem>>) src(%arg14 : memref<1000x16xf32, #tpu.memory_space<vmem>>) dst(%dma_wait3A_52 : memref<1000x16xf32, #tpu.memory_space<hbm>>)
        tpu.yield
      }) : () -> ()
    }
    %scan3A_19 = arith.constant 5 : i32
    %dma_wait3A = arith.constant 0 : i32
    %dma_wait3A_20 = tpu.memref_slice %arg11[%dma_wait3A] : memref<100000000xi32, #tpu.memory_space<hbm>> -> memref<100000000xi32, #tpu.memory_space<hbm>>
    tpu.wait_indirect_dma semaphore(%arg18 : memref<!tpu.dma_semaphore, #tpu.memory_space<semaphore_mem>>) src(%arg16 : memref<5000xi32, #tpu.memory_space<vmem>>) dst(%dma_wait3A_20 : memref<100000000xi32, #tpu.memory_space<hbm>>)
    return
  }
}

#map = affine_map<(d0, d1) -> (0)>
#map1 = affine_map<(d0, d1) -> (0, 0)>
#map2 = affine_map<(d0, d1) -> (0, 0, 0)>
module attributes {stable_mosaic.version = 14 : i64} {
  func.func @_sc_segsum_body(%arg0: i32, %arg1: i32, %arg2: memref<160000xi32, #tpu.memory_space<hbm>>, %arg3: memref<160000x16xf32, #tpu.memory_space<hbm>>, %arg4: memref<10000x16xf32, #tpu.memory_space<hbm>>, %arg5: memref<2x10000x16xf32, #tpu.memory_space<hbm>>, %arg6: memref<1000xi32, #tpu.memory_space<vmem>>, %arg7: memref<1000x16xf32, #tpu.memory_space<vmem>>, %arg8: memref<10000x16xf32, #tpu.memory_space<vmem_shared>>, %arg9: memref<!tpu.dma_semaphore, #tpu.memory_space<semaphore_mem>>) attributes {dimension_semantics = [#tpu.dimension_semantics<core_parallel>, #tpu.dimension_semantics<subcore_parallel>], iteration_bounds = array<i64: 2, 16>, scalar_prefetch = 0 : i64, scratch_operands = 4 : i64, tpu.core_type = #tpu.core_type<sc_vector_subcore>, window_params = [{transform_indices = #map}, {transform_indices = #map1}, {transform_indices = #map1}, {transform_indices = #map2}]} {
    %mul3A = arith.constant 2 : i32
    %mul3A_0 = arith.muli %arg1, %mul3A : i32
    %add3A = arith.addi %mul3A_0, %arg0 : i32
    %mul3A_1 = arith.constant 5000 : i32
    %mul3A_2 = arith.muli %add3A, %mul3A_1 : i32
    %mul3A_3 = arith.constant 625 : i32
    %mul3A_4 = arith.muli %arg1, %mul3A_3 : i32
    "tpu.region"() ({
      %run_scoped3A = tpu.sem_alloc : memref<!tpu.dma_semaphore, #tpu.memory_space<semaphore_mem>>
      %dma_start3A = arith.constant 0 : i32
      %dma_start3A_10 = tpu.memref_slice %arg8[%mul3A_4, %dma_start3A] : memref<10000x16xf32, #tpu.memory_space<vmem_shared>> -> memref<625x16xf32, #tpu.memory_space<vmem_shared>>
      %dma_start3A_11 = arith.constant 0 : i32
      %dma_start3A_12 = tpu.memref_slice %arg4[%mul3A_4, %dma_start3A_11] : memref<10000x16xf32, #tpu.memory_space<hbm>> -> memref<625x16xf32, #tpu.memory_space<hbm>>
      tpu.enqueue_dma source(%dma_start3A_12 : memref<625x16xf32, #tpu.memory_space<hbm>>) target(%dma_start3A_10 : memref<625x16xf32, #tpu.memory_space<vmem_shared>>) target_semaphore(%run_scoped3A : memref<!tpu.dma_semaphore, #tpu.memory_space<semaphore_mem>>)
      %dma_wait3A = arith.constant 0 : i32
      %dma_wait3A_13 = tpu.memref_slice %arg8[%mul3A_4, %dma_wait3A] : memref<10000x16xf32, #tpu.memory_space<vmem_shared>> -> memref<625x16xf32, #tpu.memory_space<vmem_shared>>
      %dma_wait3A_14 = arith.constant 0 : i32
      %dma_wait3A_15 = tpu.memref_slice %arg4[%mul3A_4, %dma_wait3A_14] : memref<10000x16xf32, #tpu.memory_space<hbm>> -> memref<625x16xf32, #tpu.memory_space<hbm>>
      tpu.wait_dma2 semaphore(%run_scoped3A : memref<!tpu.dma_semaphore, #tpu.memory_space<semaphore_mem>>) src(%dma_wait3A_15 : memref<625x16xf32, #tpu.memory_space<hbm>>) dst(%dma_wait3A_13 : memref<625x16xf32, #tpu.memory_space<vmem_shared>>)
      tpu.yield
    }) : () -> ()
    %barrier3A = arith.constant 0 : index
    tpu.barrier barrier_id(%barrier3A)
    %scan3A = arith.constant 0 : i32
    %scan3A_5 = arith.constant 5 : i32
    %scan3A_6 = arith.addi %scan3A, %scan3A_5 : i32
    %scan3A_7 = arith.constant 1 : i32
    scf.for %scan3A_10 = %scan3A to %scan3A_6 step %scan3A_7  : i32 {
      %mul3A_11 = arith.constant 1000 : i32
      %mul3A_12 = arith.muli %scan3A_10, %mul3A_11 : i32
      %add3A_13 = arith.constant 0 : i32
      %add3A_14 = arith.addi %add3A_13, %mul3A_12 : i32
      %add3A_15 = arith.addi %mul3A_2, %add3A_14 : i32
      "tpu.region"() ({
        %run_scoped3A = tpu.sem_alloc : memref<!tpu.dma_semaphore, #tpu.memory_space<semaphore_mem>>
        %dma_start3A = tpu.memref_slice %arg2[%add3A_15] : memref<160000xi32, #tpu.memory_space<hbm>> -> memref<1000xi32, #tpu.memory_space<hbm>>
        %dma_start3A_16 = tpu.memref_slice %arg2[%add3A_15] : memref<160000xi32, #tpu.memory_space<hbm>> -> memref<1000xi32, #tpu.memory_space<hbm>>
        tpu.enqueue_dma source(%dma_start3A_16 : memref<1000xi32, #tpu.memory_space<hbm>>) target(%arg6 : memref<1000xi32, #tpu.memory_space<vmem>>) target_semaphore(%run_scoped3A : memref<!tpu.dma_semaphore, #tpu.memory_space<semaphore_mem>>)
        %dma_wait3A = tpu.memref_slice %arg2[%add3A_15] : memref<160000xi32, #tpu.memory_space<hbm>> -> memref<1000xi32, #tpu.memory_space<hbm>>
        %dma_wait3A_17 = tpu.memref_slice %arg2[%add3A_15] : memref<160000xi32, #tpu.memory_space<hbm>> -> memref<1000xi32, #tpu.memory_space<hbm>>
        tpu.wait_dma2 semaphore(%run_scoped3A : memref<!tpu.dma_semaphore, #tpu.memory_space<semaphore_mem>>) src(%dma_wait3A_17 : memref<1000xi32, #tpu.memory_space<hbm>>) dst(%arg6 : memref<1000xi32, #tpu.memory_space<vmem>>)
        tpu.yield
      }) : () -> ()
      "tpu.region"() ({
        %run_scoped3A = tpu.sem_alloc : memref<!tpu.dma_semaphore, #tpu.memory_space<semaphore_mem>>
        %dma_start3A = arith.constant 0 : i32
        %dma_start3A_16 = tpu.memref_slice %arg3[%add3A_15, %dma_start3A] : memref<160000x16xf32, #tpu.memory_space<hbm>> -> memref<1000x16xf32, #tpu.memory_space<hbm>>
        %dma_start3A_17 = arith.constant 0 : i32
        %dma_start3A_18 = tpu.memref_slice %arg3[%add3A_15, %dma_start3A_17] : memref<160000x16xf32, #tpu.memory_space<hbm>> -> memref<1000x16xf32, #tpu.memory_space<hbm>>
        tpu.enqueue_dma source(%dma_start3A_18 : memref<1000x16xf32, #tpu.memory_space<hbm>>) target(%arg7 : memref<1000x16xf32, #tpu.memory_space<vmem>>) target_semaphore(%run_scoped3A : memref<!tpu.dma_semaphore, #tpu.memory_space<semaphore_mem>>)
        %dma_wait3A = arith.constant 0 : i32
        %dma_wait3A_19 = tpu.memref_slice %arg3[%add3A_15, %dma_wait3A] : memref<160000x16xf32, #tpu.memory_space<hbm>> -> memref<1000x16xf32, #tpu.memory_space<hbm>>
        %dma_wait3A_20 = arith.constant 0 : i32
        %dma_wait3A_21 = tpu.memref_slice %arg3[%add3A_15, %dma_wait3A_20] : memref<160000x16xf32, #tpu.memory_space<hbm>> -> memref<1000x16xf32, #tpu.memory_space<hbm>>
        tpu.wait_dma2 semaphore(%run_scoped3A : memref<!tpu.dma_semaphore, #tpu.memory_space<semaphore_mem>>) src(%dma_wait3A_21 : memref<1000x16xf32, #tpu.memory_space<hbm>>) dst(%arg7 : memref<1000x16xf32, #tpu.memory_space<vmem>>)
        tpu.yield
      }) : () -> ()
      "tpu.region"() ({
        %run_scoped3A = tpu.sem_alloc : memref<!tpu.dma_semaphore, #tpu.memory_space<semaphore_mem>>
        %dma_start3A = arith.constant 0 : i32
        %dma_start3A_16 = arith.constant 0 : i32
        %dma_start3A_17 = tpu.memref_slice %arg8[%dma_start3A, %dma_start3A_16] : memref<10000x16xf32, #tpu.memory_space<vmem_shared>> -> memref<10000x16xf32, #tpu.memory_space<vmem_shared>>
        tpu.enqueue_indirect_dma source(%arg7 : memref<1000x16xf32, #tpu.memory_space<vmem>>) target(%dma_start3A_17 : memref<10000x16xf32, #tpu.memory_space<vmem_shared>>) offsets(%arg6 : memref<1000xi32, #tpu.memory_space<vmem>>) semaphore(%run_scoped3A : memref<!tpu.dma_semaphore, #tpu.memory_space<semaphore_mem>>) {add = true}
        %dma_wait3A = arith.constant 0 : i32
        %dma_wait3A_18 = arith.constant 0 : i32
        %dma_wait3A_19 = tpu.memref_slice %arg8[%dma_wait3A, %dma_wait3A_18] : memref<10000x16xf32, #tpu.memory_space<vmem_shared>> -> memref<10000x16xf32, #tpu.memory_space<vmem_shared>>
        tpu.wait_indirect_dma semaphore(%run_scoped3A : memref<!tpu.dma_semaphore, #tpu.memory_space<semaphore_mem>>) src(%arg7 : memref<1000x16xf32, #tpu.memory_space<vmem>>) dst(%dma_wait3A_19 : memref<10000x16xf32, #tpu.memory_space<vmem_shared>>)
        tpu.yield
      }) : () -> ()
    }
    %scan3A_8 = arith.constant 5 : i32
    %barrier3A_9 = arith.constant 0 : index
    tpu.barrier barrier_id(%barrier3A_9)
    "tpu.region"() ({
      %run_scoped3A = tpu.sem_alloc : memref<!tpu.dma_semaphore, #tpu.memory_space<semaphore_mem>>
      %dma_start3A = arith.constant 0 : i32
      %dma_start3A_10 = tpu.memref_slice %arg5[%arg0, %mul3A_4, %dma_start3A] : memref<2x10000x16xf32, #tpu.memory_space<hbm>> -> memref<1x625x16xf32, #tpu.memory_space<hbm>>
      %dma_start3A_11 = tpu.memref_squeeze %dma_start3A_10 : memref<1x625x16xf32, #tpu.memory_space<hbm>> -> memref<625x16xf32, #tpu.memory_space<hbm>>
      %dma_start3A_12 = arith.constant 0 : i32
      %dma_start3A_13 = tpu.memref_slice %arg8[%mul3A_4, %dma_start3A_12] : memref<10000x16xf32, #tpu.memory_space<vmem_shared>> -> memref<625x16xf32, #tpu.memory_space<vmem_shared>>
      tpu.enqueue_dma source(%dma_start3A_13 : memref<625x16xf32, #tpu.memory_space<vmem_shared>>) target(%dma_start3A_11 : memref<625x16xf32, #tpu.memory_space<hbm>>) target_semaphore(%run_scoped3A : memref<!tpu.dma_semaphore, #tpu.memory_space<semaphore_mem>>)
      %dma_wait3A = arith.constant 0 : i32
      %dma_wait3A_14 = tpu.memref_slice %arg5[%arg0, %mul3A_4, %dma_wait3A] : memref<2x10000x16xf32, #tpu.memory_space<hbm>> -> memref<1x625x16xf32, #tpu.memory_space<hbm>>
      %dma_wait3A_15 = tpu.memref_squeeze %dma_wait3A_14 : memref<1x625x16xf32, #tpu.memory_space<hbm>> -> memref<625x16xf32, #tpu.memory_space<hbm>>
      %dma_wait3A_16 = arith.constant 0 : i32
      %dma_wait3A_17 = tpu.memref_slice %arg8[%mul3A_4, %dma_wait3A_16] : memref<10000x16xf32, #tpu.memory_space<vmem_shared>> -> memref<625x16xf32, #tpu.memory_space<vmem_shared>>
      tpu.wait_dma2 semaphore(%run_scoped3A : memref<!tpu.dma_semaphore, #tpu.memory_space<semaphore_mem>>) src(%dma_wait3A_17 : memref<625x16xf32, #tpu.memory_space<vmem_shared>>) dst(%dma_wait3A_15 : memref<625x16xf32, #tpu.memory_space<hbm>>)
      tpu.yield
    }) : () -> ()
    return
  }
}

module attributes {stable_mosaic.version = 14 : i64} {
  func.func @_prep_body(%arg0: memref<10000x128xf32, #tpu.memory_space<vmem>>, %arg1: memref<10000x128xf32, #tpu.memory_space<vmem>>, %arg2: memref<128x64xf32, #tpu.memory_space<vmem>>, %arg3: memref<128x64xf32, #tpu.memory_space<vmem>>, %arg4: memref<1x64xf32, #tpu.memory_space<vmem>>, %arg5: memref<128x16xf32, #tpu.memory_space<vmem>>, %arg6: memref<1250x128xf32, #tpu.memory_space<vmem>>, %arg7: memref<1250x128xi32, #tpu.memory_space<vmem>>, %arg8: memref<1250x128xi32, #tpu.memory_space<vmem>>, %arg9: memref<10000x64xf32, #tpu.memory_space<vmem>>, %arg10: memref<10000x64xf32, #tpu.memory_space<vmem>>, %arg11: memref<10000x16xf32, #tpu.memory_space<vmem>>, %arg12: memref<1250x128xf32, #tpu.memory_space<vmem>>, %arg13: memref<1250x128xi32, #tpu.memory_space<vmem>>, %arg14: memref<1250x128xi32, #tpu.memory_space<vmem>>) attributes {dimension_semantics = [], scalar_prefetch = 0 : i64, scratch_operands = 0 : i64, tpu.core_type = #tpu.core_type<tc>} {
    %get3A = arith.constant 0 : index
    %get3A_0 = arith.constant 0 : index
    %get3A_1 = vector.load %arg0[%get3A, %get3A_0] : memref<10000x128xf32, #tpu.memory_space<vmem>>, vector<10000x128xf32>
    %get3A_2 = arith.constant 0 : index
    %get3A_3 = arith.constant 0 : index
    %get3A_4 = vector.load %arg2[%get3A_2, %get3A_3] : memref<128x64xf32, #tpu.memory_space<vmem>>, vector<128x64xf32>
    %dot_general3A = arith.constant dense<0.000000e+00> : vector<10000x64xf32>
    %dot_general3A_5 = tpu.matmul %get3A_1, %get3A_4, %dot_general3A {dimension_numbers = #tpu.dot_dimension_numbers<[1], [0], [0], [1], [0, 0, 1, 1], [], []>, transpose_lhs_hint = false} : vector<10000x128xf32>, vector<128x64xf32>, vector<10000x64xf32> -> vector<10000x64xf32>
    %get3A_6 = arith.constant 0 : index
    %get3A_7 = arith.constant 0 : index
    %get3A_8 = vector.load %arg4[%get3A_6, %get3A_7] : memref<1x64xf32, #tpu.memory_space<vmem>>, vector<1x64xf32>
    %add3A = vector.broadcast %get3A_8 : vector<1x64xf32> to vector<10000x64xf32>
    %add3A_9 = arith.addf %dot_general3A_5, %add3A : vector<10000x64xf32>
    %swap3A = arith.constant 0 : index
    %swap3A_10 = arith.constant 0 : index
    %swap3A_11 = vector.load %arg9[%swap3A, %swap3A_10] : memref<10000x64xf32, #tpu.memory_space<vmem>>, vector<10000x64xf32>
    tpu.vector_store %arg9[%swap3A, %swap3A_10], %add3A_9 {strides = array<i32>} : memref<10000x64xf32, #tpu.memory_space<vmem>>, vector<10000x64xf32>,
    %get3A_12 = arith.constant 0 : index
    %get3A_13 = arith.constant 0 : index
    %get3A_14 = vector.load %arg0[%get3A_12, %get3A_13] : memref<10000x128xf32, #tpu.memory_space<vmem>>, vector<10000x128xf32>
    %get3A_15 = arith.constant 0 : index
    %get3A_16 = arith.constant 0 : index
    %get3A_17 = vector.load %arg3[%get3A_15, %get3A_16] : memref<128x64xf32, #tpu.memory_space<vmem>>, vector<128x64xf32>
    %dot_general3A_18 = arith.constant dense<0.000000e+00> : vector<10000x64xf32>
    %dot_general3A_19 = tpu.matmul %get3A_14, %get3A_17, %dot_general3A_18 {dimension_numbers = #tpu.dot_dimension_numbers<[1], [0], [0], [1], [0, 0, 1, 1], [], []>, transpose_lhs_hint = false} : vector<10000x128xf32>, vector<128x64xf32>, vector<10000x64xf32> -> vector<10000x64xf32>
    %swap3A_20 = arith.constant 0 : index
    %swap3A_21 = arith.constant 0 : index
    %swap3A_22 = vector.load %arg10[%swap3A_20, %swap3A_21] : memref<10000x64xf32, #tpu.memory_space<vmem>>, vector<10000x64xf32>
    tpu.vector_store %arg10[%swap3A_20, %swap3A_21], %dot_general3A_19 {strides = array<i32>} : memref<10000x64xf32, #tpu.memory_space<vmem>>, vector<10000x64xf32>,
    %get3A_23 = arith.constant 0 : index
    %get3A_24 = arith.constant 0 : index
    %get3A_25 = vector.load %arg1[%get3A_23, %get3A_24] : memref<10000x128xf32, #tpu.memory_space<vmem>>, vector<10000x128xf32>
    %get3A_26 = arith.constant 0 : index
    %get3A_27 = arith.constant 0 : index
    %get3A_28 = vector.load %arg5[%get3A_26, %get3A_27] : memref<128x16xf32, #tpu.memory_space<vmem>>, vector<128x16xf32>
    %dot_general3A_29 = arith.constant dense<0.000000e+00> : vector<10000x16xf32>
    %dot_general3A_30 = tpu.matmul %get3A_25, %get3A_28, %dot_general3A_29 {dimension_numbers = #tpu.dot_dimension_numbers<[1], [0], [0], [1], [0, 0, 1, 1], [], []>, transpose_lhs_hint = false} : vector<10000x128xf32>, vector<128x16xf32>, vector<10000x16xf32> -> vector<10000x16xf32>
    %swap3A_31 = arith.constant 0 : index
    %swap3A_32 = arith.constant 0 : index
    %swap3A_33 = vector.load %arg11[%swap3A_31, %swap3A_32] : memref<10000x16xf32, #tpu.memory_space<vmem>>, vector<10000x16xf32>
    tpu.vector_store %arg11[%swap3A_31, %swap3A_32], %dot_general3A_30 {strides = array<i32>} : memref<10000x16xf32, #tpu.memory_space<vmem>>, vector<10000x16xf32>,
    %get3A_34 = arith.constant 0 : index
    %get3A_35 = arith.constant 0 : index
    %get3A_36 = vector.load %arg6[%get3A_34, %get3A_35] : memref<1250x128xf32, #tpu.memory_space<vmem>>, vector<1250x128xf32>
    %jit3A = arith.constant 9.99999997E-7 : f32
    %jit3A_37 = arith.constant 0.999998986 : f32
    %max3A = vector.broadcast %jit3A : f32 to vector<1250x128xf32>
    %max3A_38 = arith.maximumf %max3A, %get3A_36 : vector<1250x128xf32>
    %min3A = vector.broadcast %jit3A_37 : f32 to vector<1250x128xf32>
    %min3A_39 = arith.minimumf %min3A, %max3A_38 : vector<1250x128xf32>
    %log3A = math.log %min3A_39 : vector<1250x128xf32>
    %sub3A = arith.constant 1.000000e+00 : f32
    %sub3A_40 = vector.broadcast %sub3A : f32 to vector<1250x128xf32>
    %sub3A_41 = arith.subf %sub3A_40, %min3A_39 : vector<1250x128xf32>
    %log3A_42 = math.log %sub3A_41 : vector<1250x128xf32>
    %sub3A_43 = arith.subf %log3A, %log3A_42 : vector<1250x128xf32>
    %swap3A_44 = arith.constant 0 : index
    %swap3A_45 = arith.constant 0 : index
    %swap3A_46 = vector.load %arg12[%swap3A_44, %swap3A_45] : memref<1250x128xf32, #tpu.memory_space<vmem>>, vector<1250x128xf32>
    tpu.vector_store %arg12[%swap3A_44, %swap3A_45], %sub3A_43 {strides = array<i32>} : memref<1250x128xf32, #tpu.memory_space<vmem>>, vector<1250x128xf32>,
    %get3A_47 = arith.constant 0 : index
    %get3A_48 = arith.constant 0 : index
    %get3A_49 = vector.load %arg7[%get3A_47, %get3A_48] : memref<1250x128xi32, #tpu.memory_space<vmem>>, vector<1250x128xi32>
    %mul3A = arith.constant 10000 : i32
    %mul3A_50 = vector.broadcast %mul3A : i32 to vector<1250x128xi32>
    %mul3A_51 = arith.muli %get3A_49, %mul3A_50 : vector<1250x128xi32>
    %get3A_52 = arith.constant 0 : index
    %get3A_53 = arith.constant 0 : index
    %get3A_54 = vector.load %arg8[%get3A_52, %get3A_53] : memref<1250x128xi32, #tpu.memory_space<vmem>>, vector<1250x128xi32>
    %add3A_55 = arith.addi %mul3A_51, %get3A_54 : vector<1250x128xi32>
    %swap3A_56 = arith.constant 0 : index
    %swap3A_57 = arith.constant 0 : index
    %swap3A_58 = vector.load %arg13[%swap3A_56, %swap3A_57] : memref<1250x128xi32, #tpu.memory_space<vmem>>, vector<1250x128xi32>
    tpu.vector_store %arg13[%swap3A_56, %swap3A_57], %add3A_55 {strides = array<i32>} : memref<1250x128xi32, #tpu.memory_space<vmem>>, vector<1250x128xi32>,
    %get3A_59 = arith.constant 0 : index
    %get3A_60 = arith.constant 0 : index
    %get3A_61 = vector.load %arg8[%get3A_59, %get3A_60] : memref<1250x128xi32, #tpu.memory_space<vmem>>, vector<1250x128xi32>
    %mul3A_62 = arith.constant 10000 : i32
    %mul3A_63 = vector.broadcast %mul3A_62 : i32 to vector<1250x128xi32>
    %mul3A_64 = arith.muli %get3A_61, %mul3A_63 : vector<1250x128xi32>
    %get3A_65 = arith.constant 0 : index
    %get3A_66 = arith.constant 0 : index
    %get3A_67 = vector.load %arg7[%get3A_65, %get3A_66] : memref<1250x128xi32, #tpu.memory_space<vmem>>, vector<1250x128xi32>
    %add3A_68 = arith.addi %mul3A_64, %get3A_67 : vector<1250x128xi32>
    %swap3A_69 = arith.constant 0 : index
    %swap3A_70 = arith.constant 0 : index
    %swap3A_71 = vector.load %arg14[%swap3A_69, %swap3A_70] : memref<1250x128xi32, #tpu.memory_space<vmem>>, vector<1250x128xi32>
    tpu.vector_store %arg14[%swap3A_69, %swap3A_70], %add3A_68 {strides = array<i32>} : memref<1250x128xi32, #tpu.memory_space<vmem>>, vector<1250x128xi32>,
    return
  }
}

module attributes {stable_mosaic.version = 14 : i64} {
  func.func @_gate_body(%arg0: i32, %arg1: memref<1x1xf32, #tpu.memory_space<smem>>, %arg2: memref<1x1xf32, #tpu.memory_space<smem>>, %arg3: memref<6400x64xf32, #tpu.memory_space<vmem>>, %arg4: memref<6400x64xf32, #tpu.memory_space<vmem>>, %arg5: memref<1250x128xf32, #tpu.memory_space<vmem>>, %arg6: memref<64x1xf32, #tpu.memory_space<vmem>>, %arg7: memref<1250x128xf32, #tpu.memory_space<vmem>>) attributes {dimension_semantics = [#tpu.dimension_semantics<arbitrary>], iteration_bounds = array<i64: 25>, scalar_prefetch = 0 : i64, scratch_operands = 0 : i64, tpu.core_type = #tpu.core_type<tc>, window_params = [{transform_indices = @transform_0, window_bounds = array<i64: 1, 1>}, {transform_indices = @transform_1, window_bounds = array<i64: 1, 1>}, {transform_indices = @transform_2, window_bounds = array<i64: 6400, 64>}, {transform_indices = @transform_3, window_bounds = array<i64: 6400, 64>}, {pipeline_mode = #tpu.pipeline_mode<synchronous>, transform_indices = @transform_4, window_bounds = array<i64: 1250, 128>}, {pipeline_mode = #tpu.pipeline_mode<synchronous>, transform_indices = @transform_5, window_bounds = array<i64: 64, 1>}, {pipeline_mode = #tpu.pipeline_mode<synchronous>, transform_indices = @transform_6, window_bounds = array<i64: 1250, 128>}]} {
    %get3A = arith.constant 0 : index
    %get3A_0 = arith.constant 0 : index
    %get3A_1 = vector.load %arg3[%get3A, %get3A_0] : memref<6400x64xf32, #tpu.memory_space<vmem>>, vector<6400x64xf32>
    %get3A_2 = arith.constant 0 : index
    %get3A_3 = arith.constant 0 : index
    %get3A_4 = vector.load %arg4[%get3A_2, %get3A_3] : memref<6400x64xf32, #tpu.memory_space<vmem>>, vector<6400x64xf32>
    %add3A = arith.addf %get3A_1, %get3A_4 : vector<6400x64xf32>
    %max3A = arith.constant 0.000000e+00 : f32
    %max3A_5 = vector.broadcast %max3A : f32 to vector<6400x64xf32>
    %max3A_6 = arith.maximumf %add3A, %max3A_5 : vector<6400x64xf32>
    %get3A_7 = arith.constant 0 : index
    %get3A_8 = arith.constant 0 : index
    %get3A_9 = vector.load %arg6[%get3A_7, %get3A_8] : memref<64x1xf32, #tpu.memory_space<vmem>>, vector<64x1xf32>
    %dot_general3A = arith.constant dense<0.000000e+00> : vector<6400x1xf32>
    %dot_general3A_10 = tpu.matmul %max3A_6, %get3A_9, %dot_general3A {dimension_numbers = #tpu.dot_dimension_numbers<[1], [0], [0], [1], [0, 0, 1, 1], [], []>, transpose_lhs_hint = false} : vector<6400x64xf32>, vector<64x1xf32>, vector<6400x1xf32> -> vector<6400x1xf32>
    %reshape3A = vector.shape_cast %dot_general3A_10 : vector<6400x1xf32> to vector<50x128xf32>
    %mul3A = arith.constant 50 : i32
    %mul3A_11 = arith.muli %arg0, %mul3A : i32
    %get3A_12 = arith.index_cast %mul3A_11 : i32 to index
    %get3A_13 = arith.constant 0 : index
    %get3A_14 = vector.load %arg5[%get3A_12, %get3A_13] : memref<1250x128xf32, #tpu.memory_space<vmem>>, vector<50x128xf32>
    %add3A_15 = arith.addf %get3A_14, %reshape3A : vector<50x128xf32>
    %get3A_16 = arith.constant 0 : index
    %get3A_17 = arith.constant 0 : index
    %get3A_18 = memref.load %arg1[%get3A_16, %get3A_17] : memref<1x1xf32, #tpu.memory_space<smem>>
    %add3A_19 = vector.broadcast %get3A_18 : f32 to vector<50x128xf32>
    %add3A_20 = arith.addf %add3A_15, %add3A_19 : vector<50x128xf32>
    %get3A_21 = arith.constant 0 : index
    %get3A_22 = arith.constant 0 : index
    %get3A_23 = memref.load %arg2[%get3A_21, %get3A_22] : memref<1x1xf32, #tpu.memory_space<smem>>
    %div3A = vector.broadcast %get3A_23 : f32 to vector<50x128xf32>
    %div3A_24 = arith.divf %add3A_20, %div3A : vector<50x128xf32>
    %logistic3A = arith.negf %div3A_24 : vector<50x128xf32>
    %logistic3A_25 = math.exp %logistic3A : vector<50x128xf32>
    %logistic3A_26 = arith.constant 1.000000e+00 : f32
    %logistic3A_27 = vector.broadcast %logistic3A_26 : f32 to vector<50x128xf32>
    %logistic3A_28 = arith.addf %logistic3A_27, %logistic3A_25 : vector<50x128xf32>
    %logistic3A_29 = arith.divf %logistic3A_27, %logistic3A_28 : vector<50x128xf32>
    %swap3A = arith.index_cast %mul3A_11 : i32 to index
    %swap3A_30 = arith.constant 0 : index
    %swap3A_31 = vector.load %arg7[%swap3A, %swap3A_30] : memref<1250x128xf32, #tpu.memory_space<vmem>>, vector<50x128xf32>
    tpu.vector_store %arg7[%swap3A, %swap3A_30], %logistic3A_29 {strides = array<i32>} : memref<1250x128xf32, #tpu.memory_space<vmem>>, vector<50x128xf32>,
    return
  }
  func.func @transform_0(%arg0: i32) -> (i32, i32) {
    %c0_i32 = arith.constant 0 : i32
    %c0_i32_0 = arith.constant 0 : i32
    %c0_i32_1 = arith.constant 0 : i32
    return %c0_i32, %c0_i32_0 : i32, i32
  }
  func.func @transform_1(%arg0: i32) -> (i32, i32) {
    %c0_i32 = arith.constant 0 : i32
    %c0_i32_0 = arith.constant 0 : i32
    %c0_i32_1 = arith.constant 0 : i32
    return %c0_i32, %c0_i32_0 : i32, i32
  }
  func.func @transform_2(%arg0: i32) -> (i32, i32) {
    %c0_i32 = arith.constant 0 : i32
    %c0_i32_0 = arith.constant 0 : i32
    return %arg0, %c0_i32 : i32, i32
  }
  func.func @transform_3(%arg0: i32) -> (i32, i32) {
    %c0_i32 = arith.constant 0 : i32
    %c0_i32_0 = arith.constant 0 : i32
    return %arg0, %c0_i32 : i32, i32
  }
  func.func @transform_4(%arg0: i32) -> (i32, i32) {
    %c0_i32 = arith.constant 0 : i32
    %c0_i32_0 = arith.constant 0 : i32
    %c0_i32_1 = arith.constant 0 : i32
    return %c0_i32, %c0_i32_0 : i32, i32
  }
  func.func @transform_5(%arg0: i32) -> (i32, i32) {
    %c0_i32 = arith.constant 0 : i32
    %c0_i32_0 = arith.constant 0 : i32
    %c0_i32_1 = arith.constant 0 : i32
    return %c0_i32, %c0_i32_0 : i32, i32
  }
  func.func @transform_6(%arg0: i32) -> (i32, i32) {
    %c0_i32 = arith.constant 0 : i32
    %c0_i32_0 = arith.constant 0 : i32
    %c0_i32_1 = arith.constant 0 : i32
    return %c0_i32, %c0_i32_0 : i32, i32
  }
}

module attributes {stable_mosaic.version = 14 : i64} {
  func.func @_scale_body(%arg0: i32, %arg1: memref<6400x1xf32, #tpu.memory_space<vmem>>, %arg2: memref<6400x16xf32, #tpu.memory_space<vmem>>, %arg3: memref<6400x16xf32, #tpu.memory_space<vmem>>) attributes {dimension_semantics = [#tpu.dimension_semantics<arbitrary>], iteration_bounds = array<i64: 25>, scalar_prefetch = 0 : i64, scratch_operands = 0 : i64, tpu.core_type = #tpu.core_type<tc>, window_params = [{transform_indices = @transform_0, window_bounds = array<i64: 6400, 1>}, {transform_indices = @transform_1, window_bounds = array<i64: 6400, 16>}, {transform_indices = @transform_2, window_bounds = array<i64: 6400, 16>}]} {
    %get3A = arith.constant 0 : index
    %get3A_0 = arith.constant 0 : index
    %get3A_1 = vector.load %arg1[%get3A, %get3A_0] : memref<6400x1xf32, #tpu.memory_space<vmem>>, vector<6400x1xf32>
    %get3A_2 = arith.constant 0 : index
    %get3A_3 = arith.constant 0 : index
    %get3A_4 = vector.load %arg2[%get3A_2, %get3A_3] : memref<6400x16xf32, #tpu.memory_space<vmem>>, vector<6400x16xf32>
    %mul3A = vector.broadcast %get3A_1 : vector<6400x1xf32> to vector<6400x16xf32>
    %mul3A_5 = arith.mulf %mul3A, %get3A_4 : vector<6400x16xf32>
    %swap3A = arith.constant 0 : index
    %swap3A_6 = arith.constant 0 : index
    %swap3A_7 = vector.load %arg3[%swap3A, %swap3A_6] : memref<6400x16xf32, #tpu.memory_space<vmem>>, vector<6400x16xf32>
    tpu.vector_store %arg3[%swap3A, %swap3A_6], %mul3A_5 {strides = array<i32>} : memref<6400x16xf32, #tpu.memory_space<vmem>>, vector<6400x16xf32>,
    return
  }
  func.func @transform_0(%arg0: i32) -> (i32, i32) {
    %c0_i32 = arith.constant 0 : i32
    %c0_i32_0 = arith.constant 0 : i32
    return %arg0, %c0_i32 : i32, i32
  }
  func.func @transform_1(%arg0: i32) -> (i32, i32) {
    %c0_i32 = arith.constant 0 : i32
    %c0_i32_0 = arith.constant 0 : i32
    return %arg0, %c0_i32 : i32, i32
  }
  func.func @transform_2(%arg0: i32) -> (i32, i32) {
    %c0_i32 = arith.constant 0 : i32
    %c0_i32_0 = arith.constant 0 : i32
    return %arg0, %c0_i32 : i32, i32
  }
}

module attributes {stable_mosaic.version = 14 : i64} {
  func.func @_softmax_body(%arg0: memref<2x10000x16xf32, #tpu.memory_space<vmem>>, %arg1: memref<10000x16xf32, #tpu.memory_space<vmem>>) attributes {dimension_semantics = [], scalar_prefetch = 0 : i64, scratch_operands = 0 : i64, tpu.core_type = #tpu.core_type<tc>} {
    %get3A = arith.constant 0 : index
    %get3A_0 = arith.constant 0 : index
    %get3A_1 = arith.constant 0 : index
    %get3A_2 = vector.load %arg0[%get3A, %get3A_0, %get3A_1] : memref<2x10000x16xf32, #tpu.memory_space<vmem>>, vector<1x10000x16xf32>
    %get3A_3 = vector.shape_cast %get3A_2 : vector<1x10000x16xf32> to vector<10000x16xf32>
    %get3A_4 = arith.constant 1 : index
    %get3A_5 = arith.constant 0 : index
    %get3A_6 = arith.constant 0 : index
    %get3A_7 = vector.load %arg0[%get3A_4, %get3A_5, %get3A_6] : memref<2x10000x16xf32, #tpu.memory_space<vmem>>, vector<1x10000x16xf32>
    %get3A_8 = vector.shape_cast %get3A_7 : vector<1x10000x16xf32> to vector<10000x16xf32>
    %add3A = arith.addf %get3A_3, %get3A_8 : vector<10000x16xf32>
    %reduce_max3A = arith.constant dense<0xFF800000> : vector<16xf32>
    %reduce_max3A_9 = vector.multi_reduction <maximumf>, %add3A, %reduce_max3A [0] : vector<10000x16xf32> to vector<16xf32>
    %broadcast_in_dim3A = vector.shape_cast %reduce_max3A_9 : vector<16xf32> to vector<1x16xf32>
    %sub3A = vector.broadcast %broadcast_in_dim3A : vector<1x16xf32> to vector<10000x16xf32>
    %sub3A_10 = arith.subf %add3A, %sub3A : vector<10000x16xf32>
    %exp3A = math.exp %sub3A_10 : vector<10000x16xf32>
    %reduce_sum3A = arith.constant dense<0.000000e+00> : vector<16xf32>
    %reduce_sum3A_11 = vector.multi_reduction <add>, %exp3A, %reduce_sum3A [0] : vector<10000x16xf32> to vector<16xf32>
    %broadcast_in_dim3A_12 = vector.shape_cast %reduce_sum3A_11 : vector<16xf32> to vector<1x16xf32>
    %div3A = vector.broadcast %broadcast_in_dim3A_12 : vector<1x16xf32> to vector<10000x16xf32>
    %div3A_13 = arith.divf %exp3A, %div3A : vector<10000x16xf32>
    %swap3A = arith.constant 0 : index
    %swap3A_14 = arith.constant 0 : index
    %swap3A_15 = vector.load %arg1[%swap3A, %swap3A_14] : memref<10000x16xf32, #tpu.memory_space<vmem>>, vector<10000x16xf32>
    tpu.vector_store %arg1[%swap3A, %swap3A_14], %div3A_13 {strides = array<i32>} : memref<10000x16xf32, #tpu.memory_space<vmem>>, vector<10000x16xf32>,
    return
  }
}

</mosaic_0001>

<sc_bundles>
// kernel: kernel.10.cloned.1.call-start
scs
__scs_entry_jumppad:
0x0: {  	(pc) =	sbr.rel $0x88, $3  }
0x1: {  	(tag) =	ssettag $0x0;
	lr =	simm.s32 $0x1  }
0x2: {  	[smem:$0x3F97] =	sst lr;
	_ =	strace $0xD0000000  }
0x3: {  	_ = 	snop  }
0x4: {  	_ = 	snop  }
0x5: {  	_ = 	snop  }
0x6: {  	_ = 	snop  }
0x7: {  	_ = 	snop  }
__scs_overlays_trampoline_lowered:
0x8: {  	[smem:$0x3FA6] =	sst s0  }
0x9: {  	[smem:$0x3FA7] =	sst s1  }
0xa: {  	[smem:$0x3FA8] =	sst s2  }
0xb: {  	[smem:$0x3FA9] =	sst s3  }
0xc: {  	[smem:$0x3FAA] =	sst s4  }
0xd: {  	[smem:$0x3FAB] =	sst s5  }
0xe: {  	[smem:$0x3FAC] =	sst s6  }
0xf: {  	[smem:$0x3FAD] =	sst s7  }
0x10: {  	[smem:$0x3FAE] =	sst s8  }
0x11: {  	[smem:$0x3FAF] =	sst s9;
	s0 =	simm.s32 @!p0 $0x0  }
0x12: {  	s1 =	sld [smem:$0x3F95];
	s0 =	simm.s32 @p0 $0x1  }
0x13: {  	[smem:$0x3FB0] =	sst s0;
	s0 =	simm.s32 @!p1 $0x0  }
0x14: {  	s2 =	sld [smem:$0x3F94];
	s0 =	simm.s32 @p1 $0x1  }
0x15: {  	[smem:$0x3FB1] =	sst s0;
	s0 =	simm.s32 @!p2 $0x0  }
0x16: {  	s3 =	sld [smem:$0x3FDB];
	s0 =	simm.s32 @p2 $0x1  }
0x17: {  	s4 =	simm.s32 $0x1BF5;
	[smem:$0x3FB3] =	sst s0  }
0x18: {  	s0 =	sld [smem:$0x3F96];
	_ =	swait.ge [sflag:s4], $0x0  }
0x19: {  	s7 =	sld [smem:$0x3F97]  }
0x1a: {  	s8 =	sadd.s32 $0xFFFFE003, lr  }
0x1b: {  	s9 =	sadd.s32 $0xFFFFFEF7, lr;
	s5 =	simm.s32 $0xFFFFFFFF;
	p2 =	slt.u32 s8, $0xFFFFF086  }
0x1c: {  	p1 =	slt.u32 s9, $0xF7A;
	s5 =	simm.s32 @!p2 $0x0  }
0x1d: {  	s5 =	simm.s32 @p1 $0x1;
	p0 =	seq.s32 s7, s2  }
0x1e: {  	s7 =	smul.u32 @!p0 $0xF7A, s2;
	p2 =	seq.s32 @!p0 s5, $0x0  }
0x1f: {  	s9 =	smul.u32 $0xF7A, s1;
	s8 =	simm.s32 @!p0 $0x1BF5;
	p2 =	por !p2, p0  }
0x20: {  	[sflag:s8] =	ssyncset.s32 @!p0 $0xFFFFF086;
	s6 =	sadd.s32 @!p0 s3, s7;
	s7 =	simm.s32 @!p0 $0x108  }
0x21: {  	s3 =	sadd.s32 s3, s9;
	s6 =	sadd.s32 @!p0 $0x88, s6;
	s7 =	simm.s32 @p2 $0x1082  }
0x22: {  	[simem:s7], [sflag:s8] =	dma.local @!p0 [hbm:s6], $0xF7A  }
0x23: {  	s9 =	sor.u32 $0xD0000000, s2;
	s6 =	simm.s32 $0x108;
	_ =	swait.ge @!p0 [sflag:s8], $0x0  }
0x24: {  	s3 =	sadd.s32 $0x88, s3;
	s6 =	simm.s32 @!p1 $0x1082;
	[sflag:s4] =	ssyncset.s32 $0xFFFFF086  }
0x25: {  	[simem:s6], [sflag:s4] =	dma.local [hbm:s3], $0xF7A  }
0x26: {  	[smem:$0x3F97] =	sst s1;
	(tag) =	ssettag s2;
	_ =	strace s9  }
0x27: {  	s1 =	sld [smem:$0x3FA7]  }
0x28: {  	s2 =	sld [smem:$0x3FA8]  }
0x29: {  	s4 =	sld [smem:$0x3FAA]  }
0x2a: {  	p0 =	seq.s32 s5, $0x0;
	s5 =	sld [smem:$0x3FAB]  }
0x2b: {  	s6 =	sld [smem:$0x3FAC]  }
0x2c: {  	s7 =	sld [smem:$0x3FAD]  }
0x2d: {  	s3 =	simm.s32 $0x108;
	s8 =	sld [smem:$0x3FAE]  }
0x2e: {  	s3 =	simm.s32 @!p0 $0x1082;
	s9 =	sld [smem:$0x3FAF]  }
0x2f: {  	lr =	sadd.s32 s0, s3;
	s0 =	sld [smem:$0x3FA6]  }
0x30: {  	s3 =	sld [smem:$0x3FA9]  }
0x31: {  	[smem:$0x3FB2] =	sst s10  }
0x32: {  	s10 =	sld [smem:$0x3FB0];
	_ =	sdelay $0x3  }
0x33: {  	p0 =	seq.s32 s10, $0x1;
	s10 =	sld [smem:$0x3FB2];
	_ =	sdelay $0x3  }
0x34: {  	[smem:$0x3FB2] =	sst s10  }
0x35: {  	s10 =	sld [smem:$0x3FB1];
	_ =	sdelay $0x3  }
0x36: {  	p1 =	seq.s32 s10, $0x1;
	s10 =	sld [smem:$0x3FB2];
	_ =	sdelay $0x3  }
0x37: {  	[smem:$0x3FB2] =	sst s10  }
0x38: {  	s10 =	sld [smem:$0x3FB3]  }
0x39: {  	_ = 	snop;
	(pc) =	sbr.ind lr, $3  }
0x3a: {  	_ = 	snop  }
0x3b: {  	_ = 	snop  }
0x3c: {  	p2 =	seq.s32 s10, $0x1;
	s10 =	sld [smem:$0x3FB2]  }
0x3d: {  	_ =	shalt  }
0x3e: {  	_ =	shalt  }
0x3f: {  	_ =	shalt  }
0x40: {  	_ =	shalt  }
0x41: {  	_ =	shalt  }
0x42: {  	_ =	shalt  }
0x43: {  	_ =	shalt  }
0x44: {  	_ =	shalt  }
0x45: {  	_ =	shalt  }
0x46: {  	_ =	shalt  }
0x47: {  	_ =	shalt  }
0x48: {  	_ =	shalt  }
0x49: {  	_ =	shalt  }
0x4a: {  	_ =	shalt  }
0x4b: {  	_ =	shalt  }
0x4c: {  	_ =	shalt  }
0x4d: {  	_ =	shalt  }
0x4e: {  	_ =	shalt  }
0x4f: {  	_ =	shalt  }
0x50: {  	_ =	shalt  }
0x51: {  	_ =	shalt  }
0x52: {  	_ =	shalt  }
0x53: {  	_ =	shalt  }
0x54: {  	_ =	shalt  }
0x55: {  	_ =	shalt  }
0x56: {  	_ =	shalt  }
0x57: {  	_ =	shalt  }
0x58: {  	_ =	shalt  }
0x59: {  	_ =	shalt  }
0x5a: {  	_ =	shalt  }
0x5b: {  	_ =	shalt  }
0x5c: {  	_ =	shalt  }
0x5d: {  	_ =	shalt  }
0x5e: {  	_ =	shalt  }
0x5f: {  	_ =	shalt  }
0x60: {  	_ =	shalt  }
0x61: {  	_ =	shalt  }
0x62: {  	_ =	shalt  }
0x63: {  	_ =	shalt  }
0x64: {  	_ =	shalt  }
0x65: {  	_ =	shalt  }
0x66: {  	_ =	shalt  }
0x67: {  	_ =	shalt  }
0x68: {  	_ =	shalt  }
0x69: {  	_ =	shalt  }
0x6a: {  	_ =	shalt  }
0x6b: {  	_ =	shalt  }
0x6c: {  	_ =	shalt  }
0x6d: {  	_ =	shalt  }
0x6e: {  	_ =	shalt  }
0x6f: {  	_ =	shalt  }
0x70: {  	_ =	shalt  }
0x71: {  	_ =	shalt  }
0x72: {  	_ =	shalt  }
0x73: {  	_ =	shalt  }
0x74: {  	_ =	shalt  }
0x75: {  	_ =	shalt  }
0x76: {  	_ =	shalt  }
0x77: {  	_ =	shalt  }
0x78: {  	_ =	shalt  }
0x79: {  	_ =	shalt  }
0x7a: {  	_ =	shalt  }
0x7b: {  	_ =	shalt  }
0x7c: {  	_ =	shalt  }
0x7d: {  	_ =	shalt  }
0x7e: {  	_ =	shalt  }
0x7f: {  	_ =	shalt  }
0x80: {  	_ =	shalt  }
0x81: {  	_ =	shalt  }
0x82: {  	_ =	shalt  }
0x83: {  	_ =	shalt  }
0x84: {  	_ =	shalt  }
0x85: {  	_ =	shalt  }
0x86: {  	_ =	shalt  }
0x87: {  	_ =	shalt  }
.Lfunc_end0:
.L_simem_size_0:
called_computation_lowered:
.L_overlay_start_0:
0x88: {  	s2 =	sld [smem:$0x3FD9]  }
0x89: {  	s3 =	sld [smem:$0x3FFE];
	_ =	sdelay $0x1  }
0x8a: {  	s1 =	srdreg.scid  }
0x8b: {  	s0 =	sand.u32 $0x1, s1  }
0x8c: {  	s17 =	sshll.u32 s0, $0xA;
	s2 =	sadd.s32 s3, s2  }
0x8d: {  	s2 =	sadd.s32 s2, s17  }
0x8e: {  	[smem:$0x3FBE] =	sst s2  }
0x8f: {  	_ = 	snop  }
0x90: {  	s2 =	sld [smem:$0x3FD0];
	(tm) =	ssettm $0x1  }
0x91: {  	s18 =	sld [smem:$0x3FFB];
	_ =	sdelay $0x3  }
0x92: {  	_ =	strace s18  }
0x93: {  	s3 =	sld [smem:$0x3FFC];
	_ =	sdelay $0x3  }
0x94: {  	_ =	strace s3  }
0x95: {  	s3 =	sld [smem:$0x3FFD];
	_ =	sdelay $0x3  }
0x96: {  	_ =	strace s3  }
0x97: {  	_ =	strace $0x8FFFFFFF  }
0x98: {  	s19 =	sld [smem:$0x3FDB];
	_ =	sdelay $0x1  }
0x99: {  	s4 =	simm.s32 $_scs_section_size  }
0x9a: {  	s5 =	simm.s32 $_size__tile_overlayer_lowered;
	s6 =	simm.s32 $_tile_overlayer_lowered  }
0x9b: {  	s22 =	simm.s32 $0x1BFF;
	s21 =	sshll.u32 s6, $0x1;
	s3 =	sadd.s32 s4, s19  }
0x9c: {  	s7 =	simm.s32 $0x0;
	s20 =	sshll.u32 s5, $0x1;
	s5 =	sadd.s32 s21, s3  }
0x9d: {  	[timem:s7], [sflag:s22] =	dma.local [hbm:s5], s20  }
0x9e: {  	_ =	swait.ge [sflag:s22], s20  }
0x9f: {  	s4 =	ssub.s32 $0x0, s20;
	[sflag:s22] =	ssyncset.done $0x0  }
0xa0: {  	[sflag:s22] =	ssyncadd.s32 s4;
	_ =	sdelay $0x1  }
0xa1: {  	s23 =	simm.s32 $0x1B8B  }
0xa2: {  	_ =	swait.ge [sflag:s23], $0x1  }
0xa3: {  	[sflag:s23] =	ssyncset.done $0x0  }
0xa4: {  	s25 =	simm.s32 $0x1B8E;
	s24 =	sld [smem:$0x3FFE];
	[sflag:s23] =	ssyncadd.s32 $0xFFFFFFFF  }
0xa5: {  	s26 =	simm.s32 $execute0_lowered;
	[smem:$0x3FD2] =	sst s25  }
0xa6: {  	s5 =	sshll.u32 s26, $0x1;
	_ =	strace $0x80000046;
	[dreg:$0x1] =	wrdreg $0xFFFFFFFF  }
0xa7: {  	s28 =	simm.s32 $_size_execute0_lowered;
	s3 =	sadd.s32 s3, s5;
	[dreg:$0x0] =	wrdreg $0x0  }
0xa8: {  	s5 =	sshll.u32 s28, $0x1;
	[dreg:$0x2] =	wrdreg s3  }
0xa9: {  	[dreg:$0x3] =	wrdreg s5  }
0xaa: {  	[dreg:$0x4] =	wrdreg $0xC0  }
0xab: {  	_ =	task [dreg:s7], $0x5FFFF  }
0xac: {  	[dreg:$0x1] =	wrdreg $0xFFFFFFFF  }
0xad: {  	[dreg:$0x0] =	wrdreg $0x60  }
0xae: {  	[dreg:$0x2] =	wrdreg s24  }
0xaf: {  	[dreg:$0x3] =	wrdreg s2  }
0xb0: {  	[dreg:$0x4] =	wrdreg $0x9  }
0xb1: {  	_ =	task.clear_ibuf [dreg:s7], $0x5FFFF;
	_ =	strace $0x90000046  }
0xb2: {  	s29 =	simm.s32 $0x9;
	_ =	strace $0x80000048  }
0xb3: {  	_ =	swait.ge [sflag:s29], $0x1  }
0xb4: {  	[sflag:s29] =	ssyncadd.s32 $0xFFFFFFFF  }
0xb5: {  	_ =	strace $0x90000048  }
0xb6: {  	_ =	sfence  }
0xb7: {  	s30 =	sld [smem:$0x0];
	_ =	sdelay $0x2  }
0xb8: {  	s31 =	sshll.u32 s1, $0xD;
	s1 =	sshrl.u32 s1, $0x2  }
0xb9: {  	s3 =	sand.u32 $0x4000, s31;
	s1 =	sadd.s32 s1, s30  }
0xba: {  	s0 =	sor.u32 s3, s0;
	s1 =	sshll.u32 s1, $0x11  }
0xbb: {  	s0 =	sor.u32 s1, s0  }
0xbc: {  	s0 =	sadd.s32 $0x8F2B, s0  }
0xbd: {  	[sflag:s0] =	ssyncadd.remote.s32 $0x1  }
0xbe: {  	_ =	sfence.sel $0xFFFF  }
0xbf: {  	[dreg:$0x0] =	wrdreg $0xFFFFFFFF;
	(pc) =	sbr.abs _section_cstart, $3  }
0xc0: {  	[dreg:$0x1] =	wrdreg $0xFFFFFFFF  }
0xc1: {  	_ =	task.clear_ibuf [dreg:s7], $0x2FFFF;
	_ =	strace $0x9FFFFFFF  }
0xc2: {  	(tm) =	ssettm $0x7FFFFFFF  }
0xc3: {  	_ =	shalt  }
tec
execute0_lowered:
.L_overlay_start_1:
0x0: {  	(tag) =	ssettag $0x1  }
0x1: {  	s7 =	rddreg [dreg:$0x0];
	s1 =	stileid.u32  }
0x2: {  	s14 =	rddreg [dreg:$0x1];
	s2 =	simm.s32 $0x0;
	s6 =	smul.u32 $0x2710, s1  }
0x3: {  	s3 =	srdreg.scid;
	s20 =	simm.s32 $0x1;
	s11 =	smul.u32 $0x13880, s1  }
0x4: {  	s22 =	simm.s32 $0x2;
	s8 =	sand.u32 $0x1, s3;
	s12 =	smul.u32 $0x4E20, s1  }
0x5: {  	s23 =	simm.s32 $0x0;
	s28 =	sshll.u32 s1, $0x1;
	s9 =	smul.u32 $0x1388, s8  }
0x6: {  	[smem:$0x7FF] =	sst s2;
	s3 =	sadd.s32 $0x25000, s7;
	s17 =	smul.u32 $0x2710, s8  }
0x7: {  	s5 =	sadd.s32 $0x38A00, s7;
	s4 =	sor.u32 s8, s28;
	s19 =	smul.u32 $0x9C40, s8  }
0x8: {  	_ =	strace $0x80000047;
	s16 =	ssub.s32 $0x2, s8;
	s10 =	smul.u32 $0x1388, s4  }
0x9: {  	s4 =	sadd.s32 $0x11600, s7;
	s11 =	sadd.s32 s11, s7;
	s18 =	sshrl.u32 s16, $0x1  }
0xa: {  	s12 =	sadd.s32 s12, s7;
	s6 =	sadd.s32 s9, s6;
	s16 =	ssub.s32 s16, s18  }
0xb: {  	s30 =	sadd.s32 s17, s12;
	s31 =	sadd.s32 s19, s11;
	s17 =	simm.s32 $0x1388  }
0xc: {  	s18 =	simm.s32 $0x14FF0;
	s19 =	simm.s32 $0x3E8;
	s15 =	sshrl.u32 s6, $0x3  }
0xd: {  	s29 =	sshrl.u32 s10, $0x3;
	s21 =	sadd.s32 $0x1378, s10;
	s10 =	sadd.s32 $0xE9A800, s30  }
0xe: {  	s11 =	sadd.s32 $0x3DA00, s31;
	s12 =	sadd.s32 $0x176200, s31;
	s13 =	sadd.s32 s15, s7  }
0xf: {  	v0 =	vlaneseq.u32;
	s9 =	sadd.s32 s29, s7;
	s7 =	sadd.s32 $0x2AEA00, s7;
	s14 =	sadd.s32 s15, s14  }
0x10: {  	s15 =	simm.s32 $0x13C68;
	v1 =	vadd.s32 s21, v0;
	s21 =	simm.s32 $0xFDE8;
	s8 =	sadd.s32 $0x7600, s9  }
0x11: {  	s9 =	smax.u32 s16, $0x1;
	s13 =	sadd.s32 $0x2600, s13;
	s16 =	simm.s32 $0x3  }
.LBB2_1:
0x12: {  	[tilespmem:s15], [sflag:$0x3] =	stream.linear.gather [hbm4b:s8+s2], $0x1388, $0x38;
	[tilespmem:$0x16378] =	vst v63  }
0x13: {  	_ =	swait.ge [sflag:s16], $0x1388  }
0x14: {  	s24 =	simm.s32 $0x40;
	[sflag:s16] =	ssyncset.done $0x0  }
0x15: {  	v2 =	vadd.s32 s6, v0;
	s26 =	simm.s32 $0x0;
	s25 =	smov.u32 s6;
	[sflag:s16] =	ssyncadd.s32 $0xFFFFEC78  }
.LBB2_2:
0x16: {  	p0 =	sne.s32 s24, $0x4DC0  }
0x17: {  	[tilespmem:s26+$0x14FF0] =	vst v2;
	s25 =	sadd.s32 $0x10, s25;
	s26 =	smov.u32 s24;
	s24 =	sadd.s32 $0x40, s24  }
.Ltmp0:
0x18: {  	(pc) =	sbr.rel @p0 .LBB2_2-.Ltmp0, $2  }
0x19: {  	_ =	sdelay $0x2  }
0x1a: {  	v2 =	vadd.s32 s25, v0;
	s26 =	sshra.s32 s26, $0x2  }
0x1b: {  	[tilespmem:s26+$0x14FF0] =	vst v2  }
0x1c: {  	[tilespmem:$0x16368] =	vst v1  }
0x1d: {  	[hbm4b:s7+s17] =	stream.indirect.scatter [tilespmem:s18], [sflag:$0x2], $0x1, s15, s17, $0xb8;
	[tilespmem:$0x16378] =	vst v63  }
0x1e: {  	s24 =	sadd.s32 $0x0, s14  }
0x1f: {  	[tilespmem:s2], [sflag:$0x3] =	stream.linear.gather [hbm4b:s24+s2], $0x3E8, $0x38;
	[tilespmem:$0x16378] =	vst v63  }
0x20: {  	_ =	swait.ge [sflag:s16], $0x3E8  }
0x21: {  	[sflag:s16] =	ssyncset.done $0x0  }
0x22: {  	[sflag:s16] =	ssyncadd.s32 $0xFFFFFC18  }
0x23: {  	[tilespmem:s19], [sflag:$0x1] =	stream.indirect.gather [hbm4b:s3+s19], $0x40, s2, s19, $0xb8;
	[tilespmem:$0x16378] =	vst v63  }
0x24: {  	_ =	swait.ge [sflag:s20], $0xFA00  }
0x25: {  	[sflag:s20] =	ssyncset.done $0x0  }
0x26: {  	[sflag:s20] =	ssyncadd.s32 $0xFFFF0600  }
0x27: {  	[hbm4b:s12+s2] =	stream.linear.scatter [tilespmem:s19], [sflag:$0x3], $0xFA00, $0x38;
	[tilespmem:$0x16378] =	vst v63  }
0x28: {  	_ =	swait.ge [sflag:s16], $0xFA00  }
0x29: {  	[sflag:s16] =	ssyncset.done $0x0  }
0x2a: {  	s31 =	sadd.s32 $0x0, s13;
	[sflag:s16] =	ssyncadd.s32 $0xFFFF0600  }
0x2b: {  	[tilespmem:s2], [sflag:$0x3] =	stream.linear.gather [hbm4b:s31+s2], $0x3E8, $0x38;
	[tilespmem:$0x16378] =	vst v63  }
0x2c: {  	_ =	swait.ge [sflag:s16], $0x3E8  }
0x2d: {  	[sflag:s16] =	ssyncset.done $0x0  }
0x2e: {  	[sflag:s16] =	ssyncadd.s32 $0xFFFFFC18  }
0x2f: {  	[tilespmem:s19], [sflag:$0x1] =	stream.indirect.gather [hbm4b:s4+s19], $0x40, s2, s19, $0xb8;
	[tilespmem:$0x16378] =	vst v63  }
0x30: {  	_ =	swait.ge [sflag:s20], $0xFA00  }
0x31: {  	[sflag:s20] =	ssyncset.done $0x0  }
0x32: {  	[sflag:s20] =	ssyncadd.s32 $0xFFFF0600  }
0x33: {  	[hbm4b:s11+s2] =	stream.linear.scatter [tilespmem:s19], [sflag:$0x3], $0xFA00, $0x38;
	[tilespmem:$0x16378] =	vst v63  }
0x34: {  	_ =	swait.ge [sflag:s16], $0xFA00  }
0x35: {  	[sflag:s16] =	ssyncset.done $0x0  }
0x36: {  	[sflag:s16] =	ssyncadd.s32 $0xFFFF0600  }
0x37: {  	[tilespmem:s21], [sflag:$0x1] =	stream.indirect.gather [hbm4b:s5+s19], $0x10, s2, s19, $0xb8;
	[tilespmem:$0x16378] =	vst v63  }
0x38: {  	_ =	swait.ge [sflag:s20], $0x3E80  }
0x39: {  	[sflag:s20] =	ssyncset.done $0x0  }
0x3a: {  	s26 =	simm.s32 $0x7D;
	[sflag:s20] =	ssyncadd.s32 $0xFFFFC180  }
0x3b: {  	[hbm4b:s10+s2] =	stream.linear.scatter [tilespmem:s21], [sflag:$0x3], $0x3E80, $0x38;
	[tilespmem:$0x16378] =	vst v63  }
0x3c: {  	s30 =	simm.s32 $0xFA;
	s28 =	sadd.s32 $0x1F40, s12;
	_ =	swait.ge [sflag:s16], $0x3E80  }
0x3d: {  	s25 =	sadd.s32 $0x1F40, s11;
	s24 =	sadd.s32 $0x7D0, s10;
	[sflag:s16] =	ssyncset.done $0x0  }
.LBB2_4:
0x3e: {  	s31 =	sadd.s32 s26, s14  }
0x3f: {  	[sflag:s16] =	ssyncadd.s32 $0xFFFFC180;
	s0 =	smov.u32 s30;
	s29 =	sadd.s32 $0x7D, s30  }
0x40: {  	[tilespmem:s2], [sflag:$0x3] =	stream.linear.gather [hbm4b:s31+s2], $0x3E8, $0x38;
	[tilespmem:$0x16378] =	vst v63  }
0x41: {  	p0 =	sne.s32 s30, $0x1F4;
	_ =	swait.ge [sflag:s16], $0x3E8  }
0x42: {  	[sflag:s16] =	ssyncset.done $0x0  }
0x43: {  	[sflag:s16] =	ssyncadd.s32 $0xFFFFFC18  }
0x44: {  	[tilespmem:s19], [sflag:$0x1] =	stream.indirect.gather [hbm4b:s3+s19], $0x40, s2, s19, $0xb8;
	[tilespmem:$0x16378] =	vst v63  }
0x45: {  	_ =	swait.ge [sflag:s20], $0xFA00  }
0x46: {  	[sflag:s20] =	ssyncset.done $0x0  }
0x47: {  	[sflag:s20] =	ssyncadd.s32 $0xFFFF0600  }
0x48: {  	[hbm4b:s28+s2] =	stream.linear.scatter [tilespmem:s19], [sflag:$0x3], $0xFA00, $0x38;
	[tilespmem:$0x16378] =	vst v63  }
0x49: {  	_ =	swait.ge [sflag:s16], $0xFA00  }
0x4a: {  	[sflag:s16] =	ssyncset.done $0x0  }
0x4b: {  	s30 =	sadd.s32 s26, s13;
	s26 =	smov.u32 s0;
	[sflag:s16] =	ssyncadd.s32 $0xFFFF0600  }
0x4c: {  	[tilespmem:s2], [sflag:$0x3] =	stream.linear.gather [hbm4b:s30+s2], $0x3E8, $0x38;
	[tilespmem:$0x16378] =	vst v63  }
0x4d: {  	_ =	swait.ge [sflag:s16], $0x3E8  }
0x4e: {  	[sflag:s16] =	ssyncset.done $0x0  }
0x4f: {  	[sflag:s16] =	ssyncadd.s32 $0xFFFFFC18  }
0x50: {  	[tilespmem:s19], [sflag:$0x1] =	stream.indirect.gather [hbm4b:s4+s19], $0x40, s2, s19, $0xb8;
	[tilespmem:$0x16378] =	vst v63  }
0x51: {  	_ =	swait.ge [sflag:s20], $0xFA00  }
0x52: {  	[sflag:s20] =	ssyncset.done $0x0  }
0x53: {  	[sflag:s20] =	ssyncadd.s32 $0xFFFF0600  }
0x54: {  	[hbm4b:s25+s2] =	stream.linear.scatter [tilespmem:s19], [sflag:$0x3], $0xFA00, $0x38;
	[tilespmem:$0x16378] =	vst v63  }
0x55: {  	_ =	swait.ge [sflag:s16], $0xFA00  }
0x56: {  	[sflag:s16] =	ssyncset.done $0x0  }
0x57: {  	[sflag:s16] =	ssyncadd.s32 $0xFFFF0600  }
0x58: {  	[tilespmem:s21], [sflag:$0x1] =	stream.indirect.gather [hbm4b:s5+s19], $0x10, s2, s19, $0xb8;
	[tilespmem:$0x16378] =	vst v63  }
0x59: {  	_ =	swait.ge [sflag:s20], $0x3E80  }
.Ltmp1:
0x5a: {  	[sflag:s20] =	ssyncset.done $0x0;
	(pc) =	sbr.rel @p0 .LBB2_4-.Ltmp1, $4  }
0x5b: {  	[sflag:s20] =	ssyncadd.s32 $0xFFFFC180  }
0x5c: {  	[hbm4b:s24+s2] =	stream.linear.scatter [tilespmem:s21], [sflag:$0x3], $0x3E80, $0x38;
	[tilespmem:$0x16378] =	vst v63  }
0x5d: {  	s28 =	sadd.s32 $0x1F40, s28;
	s30 =	smov.u32 s29;
	_ =	swait.ge [sflag:s16], $0x3E80  }
0x5e: {  	s25 =	sadd.s32 $0x1F40, s25;
	s24 =	sadd.s32 $0x7D0, s24;
	[sflag:s16] =	ssyncset.done $0x0  }
0x5f: {  	s0 =	sadd.s32 s26, s14;
	[sflag:s16] =	ssyncadd.s32 $0xFFFFC180  }
0x60: {  	[tilespmem:s2], [sflag:$0x3] =	stream.linear.gather [hbm4b:s0+s2], $0x3E8, $0x38;
	[tilespmem:$0x16378] =	vst v63  }
0x61: {  	_ =	swait.ge [sflag:s16], $0x3E8  }
0x62: {  	[sflag:s16] =	ssyncset.done $0x0  }
0x63: {  	[sflag:s16] =	ssyncadd.s32 $0xFFFFFC18  }
0x64: {  	[tilespmem:s19], [sflag:$0x1] =	stream.indirect.gather [hbm4b:s3+s19], $0x40, s2, s19, $0xb8;
	[tilespmem:$0x16378] =	vst v63  }
0x65: {  	_ =	swait.ge [sflag:s20], $0xFA00  }
0x66: {  	[sflag:s20] =	ssyncset.done $0x0  }
0x67: {  	[sflag:s20] =	ssyncadd.s32 $0xFFFF0600  }
0x68: {  	[hbm4b:s28+s2] =	stream.linear.scatter [tilespmem:s19], [sflag:$0x3], $0xFA00, $0x38;
	[tilespmem:$0x16378] =	vst v63  }
0x69: {  	_ =	swait.ge [sflag:s16], $0xFA00  }
0x6a: {  	[sflag:s16] =	ssyncset.done $0x0  }
0x6b: {  	s31 =	sadd.s32 s26, s13;
	[sflag:s16] =	ssyncadd.s32 $0xFFFF0600  }
0x6c: {  	[tilespmem:s2], [sflag:$0x3] =	stream.linear.gather [hbm4b:s31+s2], $0x3E8, $0x38;
	[tilespmem:$0x16378] =	vst v63  }
0x6d: {  	_ =	swait.ge [sflag:s16], $0x3E8  }
0x6e: {  	[sflag:s16] =	ssyncset.done $0x0  }
0x6f: {  	[sflag:s16] =	ssyncadd.s32 $0xFFFFFC18  }
0x70: {  	[tilespmem:s19], [sflag:$0x1] =	stream.indirect.gather [hbm4b:s4+s19], $0x40, s2, s19, $0xb8;
	[tilespmem:$0x16378] =	vst v63  }
0x71: {  	_ =	swait.ge [sflag:s20], $0xFA00  }
0x72: {  	[sflag:s20] =	ssyncset.done $0x0  }
0x73: {  	[sflag:s20] =	ssyncadd.s32 $0xFFFF0600  }
0x74: {  	[hbm4b:s25+s2] =	stream.linear.scatter [tilespmem:s19], [sflag:$0x3], $0xFA00, $0x38;
	[tilespmem:$0x16378] =	vst v63  }
0x75: {  	_ =	swait.ge [sflag:s16], $0xFA00  }
0x76: {  	[sflag:s16] =	ssyncset.done $0x0  }
0x77: {  	[sflag:s16] =	ssyncadd.s32 $0xFFFF0600  }
0x78: {  	[tilespmem:s21], [sflag:$0x1] =	stream.indirect.gather [hbm4b:s5+s19], $0x10, s2, s19, $0xb8;
	[tilespmem:$0x16378] =	vst v63  }
0x79: {  	_ =	swait.ge [sflag:s20], $0x3E80  }
0x7a: {  	[sflag:s20] =	ssyncset.done $0x0  }
0x7b: {  	s23 =	sadd.s32 $0x1, s23;
	[sflag:s20] =	ssyncadd.s32 $0xFFFFC180  }
0x7c: {  	[hbm4b:s24+s2] =	stream.linear.scatter [tilespmem:s21], [sflag:$0x3], $0x3E80, $0x38;
	[tilespmem:$0x16378] =	vst v63  }
0x7d: {  	p0 =	sne.s32 s23, s9;
	_ =	swait.ge [sflag:s16], $0x3E80  }
.Ltmp2:
0x7e: {  	[sflag:s16] =	ssyncset.done $0x0;
	(pc) =	sbr.rel @p0 .LBB2_1-.Ltmp2, $4  }
0x7f: {  	[sflag:s16] =	ssyncadd.s32 $0xFFFFC180  }
0x80: {  	_ =	swait.ge [sflag:s22], $0x1388  }
0x81: {  	[sflag:s22] =	ssyncset.done $0x0  }
0x82: {  	[sflag:s22] =	ssyncadd.s32 $0xFFFFEC78  }
0x83: {  	_ =	sfence.sel $0x180000  }
0x84: {  	[bflag:$0x0] =	sbarrier.arrive $0xFFFF  }
0x85: {  	_ =	strace $0x90000047  }
0x86: {  	[bflag:$0x2] =	sbarrier.arrive $0xFFFF  }
0x87: {  	p0 =	sne.s32 s1, $0x0;
	s0 =	rddreg [dreg:$0x2]  }
0x88: {  	s0 =	sadd.s32 @!p0 $0x100000, s0  }
0x89: {  	[sflag:s0] =	ssyncadd.tile.s32 @!p0 $0x1;
	_ =	shalt  }
.Lfunc_end2:
_tile_overlayer_lowered:
.L_overlay_start_2:
0x8a: {  	(tag) =	ssettag $0x2  }
0x8b: {  	s0 =	rddreg [dreg:$0x0];
	s2 =	stileid.u32  }
0x8c: {  	s1 =	rddreg [dreg:$0x1];
	p0 =	sne.s32 s2, $0x0  }
0x8d: {  	s3 =	rddreg [dreg:$0x2];
	[bflag:$0x3] =	sbarrier.arrive $0xFFFF;
	s2 =	simm.s32 @!p0 $0x1C03  }
0x8e: {  	[timem:s3], [sflag:s2] =	dma.local @!p0 [hbm:s0], s1  }
0x8f: {  	s0 =	simm.s32 @!p0 $0x3  }
0x90: {  	_ =	swait.ge @!p0 [sflag:s0], s1  }
0x91: {  	s1 =	ssub.s32 @!p0 $0x0, s1;
	[sflag:s0] =	ssyncset.done @!p0 $0x0  }
0x92: {  	[sflag:s0] =	ssyncadd.s32 @!p0 s1  }
0x93: {  	[bflag:$0x3] =	sbarrier.arrive $0xFFFF  }
0x94: {  	_ =	shalt  }

// kernel: kernel.13.cloned.1.call-start
scs
__scs_entry_jumppad:
0x0: {  	(pc) =	sbr.rel $0x88, $3  }
0x1: {  	(tag) =	ssettag $0x0;
	lr =	simm.s32 $0x1  }
0x2: {  	[smem:$0x3F97] =	sst lr;
	_ =	strace $0xD0000000  }
0x3: {  	_ = 	snop  }
0x4: {  	_ = 	snop  }
0x5: {  	_ = 	snop  }
0x6: {  	_ = 	snop  }
0x7: {  	_ = 	snop  }
__scs_overlays_trampoline_lowered:
0x8: {  	[smem:$0x3FA6] =	sst s0  }
0x9: {  	[smem:$0x3FA7] =	sst s1  }
0xa: {  	[smem:$0x3FA8] =	sst s2  }
0xb: {  	[smem:$0x3FA9] =	sst s3  }
0xc: {  	[smem:$0x3FAA] =	sst s4  }
0xd: {  	[smem:$0x3FAB] =	sst s5  }
0xe: {  	[smem:$0x3FAC] =	sst s6  }
0xf: {  	[smem:$0x3FAD] =	sst s7  }
0x10: {  	[smem:$0x3FAE] =	sst s8  }
0x11: {  	[smem:$0x3FAF] =	sst s9;
	s0 =	simm.s32 @!p0 $0x0  }
0x12: {  	s1 =	sld [smem:$0x3F95];
	s0 =	simm.s32 @p0 $0x1  }
0x13: {  	[smem:$0x3FB0] =	sst s0;
	s0 =	simm.s32 @!p1 $0x0  }
0x14: {  	s2 =	sld [smem:$0x3F94];
	s0 =	simm.s32 @p1 $0x1  }
0x15: {  	[smem:$0x3FB1] =	sst s0;
	s0 =	simm.s32 @!p2 $0x0  }
0x16: {  	s3 =	sld [smem:$0x3FDB];
	s0 =	simm.s32 @p2 $0x1  }
0x17: {  	s4 =	simm.s32 $0x1BF5;
	[smem:$0x3FB3] =	sst s0  }
0x18: {  	s0 =	sld [smem:$0x3F96];
	_ =	swait.ge [sflag:s4], $0x0  }
0x19: {  	s7 =	sld [smem:$0x3F97]  }
0x1a: {  	s8 =	sadd.s32 $0xFFFFE003, lr  }
0x1b: {  	s9 =	sadd.s32 $0xFFFFFEF7, lr;
	s5 =	simm.s32 $0xFFFFFFFF;
	p2 =	slt.u32 s8, $0xFFFFF086  }
0x1c: {  	p1 =	slt.u32 s9, $0xF7A;
	s5 =	simm.s32 @!p2 $0x0  }
0x1d: {  	s5 =	simm.s32 @p1 $0x1;
	p0 =	seq.s32 s7, s2  }
0x1e: {  	s7 =	smul.u32 @!p0 $0xF7A, s2;
	p2 =	seq.s32 @!p0 s5, $0x0  }
0x1f: {  	s9 =	smul.u32 $0xF7A, s1;
	s8 =	simm.s32 @!p0 $0x1BF5;
	p2 =	por !p2, p0  }
0x20: {  	[sflag:s8] =	ssyncset.s32 @!p0 $0xFFFFF086;
	s6 =	sadd.s32 @!p0 s3, s7;
	s7 =	simm.s32 @!p0 $0x108  }
0x21: {  	s3 =	sadd.s32 s3, s9;
	s6 =	sadd.s32 @!p0 $0x88, s6;
	s7 =	simm.s32 @p2 $0x1082  }
0x22: {  	[simem:s7], [sflag:s8] =	dma.local @!p0 [hbm:s6], $0xF7A  }
0x23: {  	s9 =	sor.u32 $0xD0000000, s2;
	s6 =	simm.s32 $0x108;
	_ =	swait.ge @!p0 [sflag:s8], $0x0  }
0x24: {  	s3 =	sadd.s32 $0x88, s3;
	s6 =	simm.s32 @!p1 $0x1082;
	[sflag:s4] =	ssyncset.s32 $0xFFFFF086  }
0x25: {  	[simem:s6], [sflag:s4] =	dma.local [hbm:s3], $0xF7A  }
0x26: {  	[smem:$0x3F97] =	sst s1;
	(tag) =	ssettag s2;
	_ =	strace s9  }
0x27: {  	s1 =	sld [smem:$0x3FA7]  }
0x28: {  	s2 =	sld [smem:$0x3FA8]  }
0x29: {  	s4 =	sld [smem:$0x3FAA]  }
0x2a: {  	p0 =	seq.s32 s5, $0x0;
	s5 =	sld [smem:$0x3FAB]  }
0x2b: {  	s6 =	sld [smem:$0x3FAC]  }
0x2c: {  	s7 =	sld [smem:$0x3FAD]  }
0x2d: {  	s3 =	simm.s32 $0x108;
	s8 =	sld [smem:$0x3FAE]  }
0x2e: {  	s3 =	simm.s32 @!p0 $0x1082;
	s9 =	sld [smem:$0x3FAF]  }
0x2f: {  	lr =	sadd.s32 s0, s3;
	s0 =	sld [smem:$0x3FA6]  }
0x30: {  	s3 =	sld [smem:$0x3FA9]  }
0x31: {  	[smem:$0x3FB2] =	sst s10  }
0x32: {  	s10 =	sld [smem:$0x3FB0];
	_ =	sdelay $0x3  }
0x33: {  	p0 =	seq.s32 s10, $0x1;
	s10 =	sld [smem:$0x3FB2];
	_ =	sdelay $0x3  }
0x34: {  	[smem:$0x3FB2] =	sst s10  }
0x35: {  	s10 =	sld [smem:$0x3FB1];
	_ =	sdelay $0x3  }
0x36: {  	p1 =	seq.s32 s10, $0x1;
	s10 =	sld [smem:$0x3FB2];
	_ =	sdelay $0x3  }
0x37: {  	[smem:$0x3FB2] =	sst s10  }
0x38: {  	s10 =	sld [smem:$0x3FB3]  }
0x39: {  	_ = 	snop;
	(pc) =	sbr.ind lr, $3  }
0x3a: {  	_ = 	snop  }
0x3b: {  	_ = 	snop  }
0x3c: {  	p2 =	seq.s32 s10, $0x1;
	s10 =	sld [smem:$0x3FB2]  }
0x3d: {  	_ =	shalt  }
0x3e: {  	_ =	shalt  }
0x3f: {  	_ =	shalt  }
0x40: {  	_ =	shalt  }
0x41: {  	_ =	shalt  }
0x42: {  	_ =	shalt  }
0x43: {  	_ =	shalt  }
0x44: {  	_ =	shalt  }
0x45: {  	_ =	shalt  }
0x46: {  	_ =	shalt  }
0x47: {  	_ =	shalt  }
0x48: {  	_ =	shalt  }
0x49: {  	_ =	shalt  }
0x4a: {  	_ =	shalt  }
0x4b: {  	_ =	shalt  }
0x4c: {  	_ =	shalt  }
0x4d: {  	_ =	shalt  }
0x4e: {  	_ =	shalt  }
0x4f: {  	_ =	shalt  }
0x50: {  	_ =	shalt  }
0x51: {  	_ =	shalt  }
0x52: {  	_ =	shalt  }
0x53: {  	_ =	shalt  }
0x54: {  	_ =	shalt  }
0x55: {  	_ =	shalt  }
0x56: {  	_ =	shalt  }
0x57: {  	_ =	shalt  }
0x58: {  	_ =	shalt  }
0x59: {  	_ =	shalt  }
0x5a: {  	_ =	shalt  }
0x5b: {  	_ =	shalt  }
0x5c: {  	_ =	shalt  }
0x5d: {  	_ =	shalt  }
0x5e: {  	_ =	shalt  }
0x5f: {  	_ =	shalt  }
0x60: {  	_ =	shalt  }
0x61: {  	_ =	shalt  }
0x62: {  	_ =	shalt  }
0x63: {  	_ =	shalt  }
0x64: {  	_ =	shalt  }
0x65: {  	_ =	shalt  }
0x66: {  	_ =	shalt  }
0x67: {  	_ =	shalt  }
0x68: {  	_ =	shalt  }
0x69: {  	_ =	shalt  }
0x6a: {  	_ =	shalt  }
0x6b: {  	_ =	shalt  }
0x6c: {  	_ =	shalt  }
0x6d: {  	_ =	shalt  }
0x6e: {  	_ =	shalt  }
0x6f: {  	_ =	shalt  }
0x70: {  	_ =	shalt  }
0x71: {  	_ =	shalt  }
0x72: {  	_ =	shalt  }
0x73: {  	_ =	shalt  }
0x74: {  	_ =	shalt  }
0x75: {  	_ =	shalt  }
0x76: {  	_ =	shalt  }
0x77: {  	_ =	shalt  }
0x78: {  	_ =	shalt  }
0x79: {  	_ =	shalt  }
0x7a: {  	_ =	shalt  }
0x7b: {  	_ =	shalt  }
0x7c: {  	_ =	shalt  }
0x7d: {  	_ =	shalt  }
0x7e: {  	_ =	shalt  }
0x7f: {  	_ =	shalt  }
0x80: {  	_ =	shalt  }
0x81: {  	_ =	shalt  }
0x82: {  	_ =	shalt  }
0x83: {  	_ =	shalt  }
0x84: {  	_ =	shalt  }
0x85: {  	_ =	shalt  }
0x86: {  	_ =	shalt  }
0x87: {  	_ =	shalt  }
.Lfunc_end0:
.L_simem_size_0:
called_computation.1_lowered:
.L_overlay_start_0:
0x88: {  	s2 =	sld [smem:$0x3FD9]  }
0x89: {  	s3 =	sld [smem:$0x3FFE];
	_ =	sdelay $0x1  }
0x8a: {  	s1 =	srdreg.scid  }
0x8b: {  	s0 =	sand.u32 $0x1, s1  }
0x8c: {  	s16 =	sshll.u32 s0, $0xA;
	s2 =	sadd.s32 s3, s2  }
0x8d: {  	s2 =	sadd.s32 s2, s16  }
0x8e: {  	[smem:$0x3FBE] =	sst s2  }
0x8f: {  	_ = 	snop  }
0x90: {  	(tm) =	ssettm $0x1  }
0x91: {  	s17 =	sld [smem:$0x3FFB];
	_ =	sdelay $0x3  }
0x92: {  	_ =	strace s17  }
0x93: {  	s2 =	sld [smem:$0x3FFC];
	_ =	sdelay $0x3  }
0x94: {  	_ =	strace s2  }
0x95: {  	s2 =	sld [smem:$0x3FFD];
	_ =	sdelay $0x3  }
0x96: {  	_ =	strace s2  }
0x97: {  	_ =	strace $0x8FFFFFFF  }
0x98: {  	s18 =	sld [smem:$0x3FDB];
	_ =	sdelay $0x1  }
0x99: {  	s19 =	simm.s32 $_scs_section_size  }
0x9a: {  	s4 =	simm.s32 $_size__tile_overlayer_lowered;
	s5 =	simm.s32 $_tile_overlayer_lowered  }
0x9b: {  	s22 =	simm.s32 $0x1BFF;
	s21 =	sshll.u32 s5, $0x1;
	s2 =	sadd.s32 s19, s18  }
0x9c: {  	s6 =	simm.s32 $0x0;
	s20 =	sshll.u32 s4, $0x1;
	s4 =	sadd.s32 s21, s2  }
0x9d: {  	[timem:s6], [sflag:s22] =	dma.local [hbm:s4], s20  }
0x9e: {  	_ =	swait.ge [sflag:s22], s20  }
0x9f: {  	s3 =	ssub.s32 $0x0, s20;
	[sflag:s22] =	ssyncset.done $0x0  }
0xa0: {  	[sflag:s22] =	ssyncadd.s32 s3;
	_ =	sdelay $0x1  }
0xa1: {  	s23 =	simm.s32 $0x1B8B  }
0xa2: {  	_ =	swait.ge [sflag:s23], $0x1  }
0xa3: {  	[sflag:s23] =	ssyncset.done $0x0  }
0xa4: {  	s25 =	simm.s32 $0x1B8E;
	s24 =	sld [smem:$0x3FFE];
	[sflag:s23] =	ssyncadd.s32 $0xFFFFFFFF  }
0xa5: {  	s26 =	simm.s32 $execute0_lowered;
	[smem:$0x3FD2] =	sst s25  }
0xa6: {  	s4 =	sshll.u32 s26, $0x1;
	_ =	strace $0x80000049;
	[dreg:$0x1] =	wrdreg $0xFFFFFFFF  }
0xa7: {  	s28 =	simm.s32 $_size_execute0_lowered;
	s2 =	sadd.s32 s2, s4;
	[dreg:$0x0] =	wrdreg $0x0  }
0xa8: {  	s4 =	sshll.u32 s28, $0x1;
	[dreg:$0x2] =	wrdreg s2  }
0xa9: {  	[dreg:$0x3] =	wrdreg s4  }
0xaa: {  	[dreg:$0x4] =	wrdreg $0xC0  }
0xab: {  	_ =	task [dreg:s6], $0x5FFFF  }
0xac: {  	[dreg:$0x1] =	wrdreg $0xFFFFFFFF  }
0xad: {  	[dreg:$0x0] =	wrdreg $0x60  }
0xae: {  	[dreg:$0x2] =	wrdreg s24  }
0xaf: {  	[dreg:$0x3] =	wrdreg $0x9C400  }
0xb0: {  	[dreg:$0x4] =	wrdreg $0x9  }
0xb1: {  	_ =	task.clear_ibuf [dreg:s6], $0x5FFFF;
	_ =	strace $0x90000049  }
0xb2: {  	s29 =	simm.s32 $0x9;
	_ =	strace $0x8000004B  }
0xb3: {  	_ =	swait.ge [sflag:s29], $0x1  }
0xb4: {  	[sflag:s29] =	ssyncadd.s32 $0xFFFFFFFF  }
0xb5: {  	_ =	strace $0x9000004B  }
0xb6: {  	_ =	sfence  }
0xb7: {  	s30 =	sld [smem:$0x0];
	_ =	sdelay $0x2  }
0xb8: {  	s31 =	sshll.u32 s1, $0xD;
	s1 =	sshrl.u32 s1, $0x2  }
0xb9: {  	s3 =	sand.u32 $0x4000, s31;
	s1 =	sadd.s32 s1, s30  }
0xba: {  	s0 =	sor.u32 s3, s0;
	s1 =	sshll.u32 s1, $0x11  }
0xbb: {  	s0 =	sor.u32 s1, s0  }
0xbc: {  	s0 =	sadd.s32 $0x8F2B, s0  }
0xbd: {  	[sflag:s0] =	ssyncadd.remote.s32 $0x1  }
0xbe: {  	_ =	sfence.sel $0xFFFF  }
0xbf: {  	[dreg:$0x0] =	wrdreg $0xFFFFFFFF;
	(pc) =	sbr.abs _section_cstart, $3  }
0xc0: {  	[dreg:$0x1] =	wrdreg $0xFFFFFFFF  }
0xc1: {  	_ =	task.clear_ibuf [dreg:s6], $0x2FFFF;
	_ =	strace $0x9FFFFFFF  }
0xc2: {  	(tm) =	ssettm $0x7FFFFFFF  }
0xc3: {  	_ =	shalt  }
tec
execute0_lowered:
.L_overlay_start_1:
0x0: {  	(tag) =	ssettag $0x1  }
0x1: {  	s6 =	rddreg [dreg:$0x0]  }
0x2: {  	s2 =	rddreg [dreg:$0x1]  }
0x3: {  	s0 =	rddreg [dreg:$0x2];
	s3 =	simm.s32 $0x0  }
0x4: {  	s1 =	stileid.u32;
	s4 =	srdreg.scid;
	s17 =	simm.s32 $0x1388  }
0x5: {  	s18 =	simm.s32 $0x2710;
	s19 =	simm.s32 $0x3A98;
	s20 =	simm.s32 $0x4E20  }
0x6: {  	s21 =	simm.s32 $0x61A8;
	s22 =	simm.s32 $0x88B8;
	s23 =	simm.s32 $0x7530  }
0x7: {  	s24 =	simm.s32 $0x0;
	[smem:$0x7FF] =	sst s3;
	s7 =	smul.u32 $0x2710, s1  }
0x8: {  	s8 =	sand.u32 $0x1, s4;
	s4 =	sadd.s32 $0x2AEA00, s6;
	s9 =	sshll.u32 s1, $0x1  }
0x9: {  	s5 =	sadd.s32 $0x7600, s6;
	s31 =	sshll.u32 s1, $0x6;
	_ =	strace $0x8000004A  }
0xa: {  	s10 =	smul.u32 $0x27100, s8;
	s9 =	sor.u32 s8, s9;
	s8 =	ssub.s32 $0x2, s8  }
0xb: {  	s11 =	sshrl.u32 s7, $0x3;
	s9 =	smul.u32 $0x271, s9;
	s12 =	sshrl.u32 s8, $0x1  }
0xc: {  	s16 =	sadd.s32 s7, s2;
	s10 =	sadd.s32 s7, s10;
	s11 =	sadd.s32 s11, s6  }
0xd: {  	s15 =	ssub.s32 s8, s12;
	s7 =	sor.u32 $0x1C01, s31;
	s10 =	sshrl.u32 s10, $0x3  }
0xe: {  	s13 =	sadd.s32 s9, s6;
	s8 =	sadd.s32 s5, s9;
	s14 =	sadd.s32 s10, s6  }
0xf: {  	s6 =	sadd.s32 $0x11600, s11;
	s9 =	sadd.s32 $0xC600, s13;
	s10 =	sadd.s32 $0x2600, s13  }
0x10: {  	s12 =	sadd.s32 $0x16600, s13;
	s13 =	sadd.s32 $0x1B600, s13;
	s11 =	sadd.s32 $0x20600, s14  }
0x11: {  	s14 =	smax.u32 s15, $0x1;
	s15 =	sshrl.u32 s16, $0x3;
	s16 =	simm.s32 $0x1  }
.LBB2_1:
0x12: {  	[spmem:s15], [sflag:s7] =	dma.local [hbm:s6], $0x4E2  }
0x13: {  	_ =	swait.ge [sflag:s16], $0x4E2  }
0x14: {  	[sflag:s16] =	ssyncset.done $0x0  }
0x15: {  	[sflag:s16] =	ssyncadd.s32 $0xFFFFFB1E  }
0x16: {  	[tilespmem:s3], [sflag:$0x1] =	stream.linear.gather [hbm4b:s8+s3], $0x1388, $0x38;
	[tilespmem:$0xC350] =	vst v63  }
0x17: {  	_ =	swait.ge [sflag:s16], $0x1388  }
0x18: {  	[sflag:s16] =	ssyncset.done $0x0  }
0x19: {  	[sflag:s16] =	ssyncadd.s32 $0xFFFFEC78  }
0x1a: {  	[tilespmem:s17], [sflag:$0x1] =	stream.linear.gather [hbm4b:s9+s3], $0x1388, $0x38;
	[tilespmem:$0xC350] =	vst v63  }
0x1b: {  	_ =	swait.ge [sflag:s16], $0x1388  }
0x1c: {  	[sflag:s16] =	ssyncset.done $0x0  }
0x1d: {  	[sflag:s16] =	ssyncadd.s32 $0xFFFFEC78  }
0x1e: {  	[tilespmem:s18], [sflag:$0x1] =	stream.linear.gather [hbm4b:s10+s3], $0x1388, $0x38;
	[tilespmem:$0xC350] =	vst v63  }
0x1f: {  	_ =	swait.ge [sflag:s16], $0x1388  }
0x20: {  	[sflag:s16] =	ssyncset.done $0x0  }
0x21: {  	[sflag:s16] =	ssyncadd.s32 $0xFFFFEC78  }
0x22: {  	[tilespmem:s19], [sflag:$0x1] =	stream.indirect.gather [hbm4b:s4+s17], $0x1, s3, s17, $0xb8;
	[tilespmem:$0xC350] =	vst v63  }
0x23: {  	_ =	swait.ge [sflag:s16], $0x1388  }
0x24: {  	[sflag:s16] =	ssyncset.done $0x0  }
0x25: {  	[sflag:s16] =	ssyncadd.s32 $0xFFFFEC78  }
0x26: {  	[tilespmem:s20], [sflag:$0x1] =	stream.indirect.gather [hbm4b:s4+s17], $0x1, s17, s17, $0xb8;
	[tilespmem:$0xC350] =	vst v63  }
0x27: {  	_ =	swait.ge [sflag:s16], $0x1388  }
0x28: {  	[sflag:s16] =	ssyncset.done $0x0  }
0x29: {  	s25 =	simm.s32 $0x0;
	[sflag:s16] =	ssyncadd.s32 $0xFFFFEC78  }
0x2a: {  	s26 =	simm.s32 $0x40;
	v0 =	vld [tilespmem:s25+$0x4E20]  }
.LBB2_2:
0x2b: {  	_ =	sdelay $0x1  }
0x2c: {  	p0 =	sne.s32 s26, $0x4DC0  }
.Ltmp0:
0x2d: {  	_ = 	snop;
	(pc) =	sbr.rel @p0 .LBB2_2-.Ltmp0, $4  }
0x2e: {  	vm0 =	vgt.s32 v0, $0x0  }
0x2f: {  	v1 =	vnsel vm0, $0x0, v0  }
0x30: {  	s28 =	sshra.s32 s26, $0x2;
	v1 =	vmin.u32 v1, $0x270FF  }
0x31: {  	s26 =	sadd.s32 $0x40, s26;
	v0 =	vld [tilespmem:s28+$0x4E20];
	[tilespmem:s25+$0x61A8] =	vst v1;
	s25 =	smov.u32 s28  }
0x32: {  	_ =	sdelay $0x3  }
0x33: {  	vm0 =	vgt.s32 v0, $0x0  }
0x34: {  	v0 =	vnsel vm0, $0x0, v0  }
0x35: {  	v0 =	vmin.u32 v0, $0x270FF  }
0x36: {  	[tilespmem:s25+$0x61A8] =	vst v0  }
0x37: {  	v0 =	vld [tilespmem:$0x6198];
	_ =	sdelay $0x4  }
0x38: {  	vm14 =	vgt.s32 v0, $0x0  }
0x39: {  	v0 =	vnsel vm14, $0x0, v0  }
0x3a: {  	v0 =	vmin.u32 v0, $0x270FF  }
0x3b: {  	[tilespmem:$0x7520] =	vst v0  }
0x3c: {  	[tilespmem:s22], [sflag:$0x1] =	stream.indirect.gather [hbm4b:s5+s17], $0x1, s21, s17, $0xb8;
	[tilespmem:$0xC350] =	vst v63  }
0x3d: {  	_ =	swait.ge [sflag:s16], $0x1388  }
0x3e: {  	[sflag:s16] =	ssyncset.done $0x0  }
0x3f: {  	s25 =	simm.s32 $0x0;
	[sflag:s16] =	ssyncadd.s32 $0xFFFFEC78  }
0x40: {  	v2 =	vld [tilespmem:s25+$0x4E20]  }
0x41: {  	v4 =	vld [tilespmem:s25+$0x61A8]  }
0x42: {  	v3 =	vld [tilespmem:s25+$0x88B8]  }
0x43: {  	v5 =	vld [tilespmem:s25+$0x1388];
	_ =	sdelay $0x1  }
0x44: {  	s26 =	simm.s32 $0x10  }
0x45: {  	v1 =	vld [tilespmem:s26+$0x4E20]  }
0x46: {  	v0 =	vld [tilespmem:s26+$0x61A8]  }
0x47: {  	vm15 =	veq.s32 v2, v4;
	vm1 =	veq.s32 v3, v5;
	v2 =	vld [tilespmem:s26+$0x88B8]  }
0x48: {  	v3 =	vld [tilespmem:s26+$0x1388];
	vm0 =	vmand vm15, vm1  }
0x49: {  	s28 =	simm.s32 $0x80;
	v4 =	vnsel vm0, $0xFFFFFFFF, v4  }
.LBB2_4:
0x4a: {  	[tilespmem:s25+$0x7530] =	vst v4;
	v4 =	vmov v1;
	s25 =	smov.u32 s26;
	s26 =	sshra.s32 s28, $0x2;
	p0 =	sne.s32 s28, $0x4DC0  }
.Ltmp1:
0x4b: {  	v1 =	vld [tilespmem:s26+$0x4E20];
	v5 =	vmov v0;
	(pc) =	sbr.rel @p0 .LBB2_4-.Ltmp1, $4  }
0x4c: {  	v0 =	vld [tilespmem:s26+$0x61A8]  }
0x4d: {  	s28 =	sadd.s32 $0x40, s28;
	vm0 =	veq.s32 v4, v5;
	vm1 =	veq.s32 v2, v3;
	v2 =	vld [tilespmem:s26+$0x88B8]  }
0x4e: {  	v3 =	vld [tilespmem:s26+$0x1388];
	vm0 =	vmand vm0, vm1  }
0x4f: {  	v4 =	vnsel vm0, $0xFFFFFFFF, v5  }
0x50: {  	_ =	sdelay $0x2  }
0x51: {  	vm0 =	veq.s32 v1, v0;
	vm1 =	veq.s32 v2, v3  }
0x52: {  	vm0 =	vmand vm0, vm1  }
0x53: {  	[tilespmem:s25+$0x7530] =	vst v4;
	v59 =	vnsel vm0, $0xFFFFFFFF, v0  }
0x54: {  	[tilespmem:s26+$0x7530] =	vst v59  }
0x55: {  	v0 =	vld [tilespmem:$0x6198]  }
0x56: {  	v60 =	vld [tilespmem:$0x7520]  }
0x57: {  	v61 =	vld [tilespmem:$0x9C30]  }
0x58: {  	v62 =	vld [tilespmem:$0x2700];
	_ =	sdelay $0x4  }
0x59: {  	vm14 =	veq.s32 v0, v60;
	vm15 =	veq.s32 v61, v62  }
0x5a: {  	vm0 =	vmand vm14, vm15  }
0x5b: {  	v63 =	vnsel vm0, $0xFFFFFFFF, v60  }
0x5c: {  	[tilespmem:$0x88A8] =	vst v63  }
0x5d: {  	[bflag:$0x0] =	sbarrier.arrive $0xFFFF  }
0x5e: {  	[spmem:s2] =	stream.indirect.scatter.add.f32 [tilespmem:s18], [sflag:$0x1], $0x1, s19, s17, $0xb8;
	[tilespmem:$0xC350] =	vst v63  }
0x5f: {  	_ =	swait.ge [sflag:s16], $0x1388  }
0x60: {  	[sflag:s16] =	ssyncset.done $0x0  }
0x61: {  	[sflag:s16] =	ssyncadd.s32 $0xFFFFEC78  }
0x62: {  	[bflag:$0x0] =	sbarrier.arrive $0xFFFF  }
0x63: {  	[hbm:s11], [sflag:s7] =	dma.local [spmem:s15], $0x4E2  }
0x64: {  	_ =	swait.ge [sflag:s16], $0x4E2  }
0x65: {  	[sflag:s16] =	ssyncset.done $0x0  }
0x66: {  	[sflag:s16] =	ssyncadd.s32 $0xFFFFFB1E  }
0x67: {  	[hbm4b:s12+s3] =	stream.linear.scatter [tilespmem:s19], [sflag:$0x1], $0x1388, $0x38;
	[tilespmem:$0xC350] =	vst v63  }
0x68: {  	s24 =	sadd.s32 $0x1, s24;
	_ =	swait.ge [sflag:s16], $0x1388  }
0x69: {  	p0 =	sne.s32 s24, s14;
	[sflag:s16] =	ssyncset.done $0x0  }
.Ltmp2:
0x6a: {  	[sflag:s16] =	ssyncadd.s32 $0xFFFFEC78;
	(pc) =	sbr.rel @p0 .LBB2_1-.Ltmp2, $4  }
0x6b: {  	[hbm4b:s13+s3] =	stream.linear.scatter [tilespmem:s23], [sflag:$0x1], $0x1388, $0x38;
	[tilespmem:$0xC350] =	vst v63  }
0x6c: {  	_ =	swait.ge [sflag:s16], $0x1388  }
0x6d: {  	[sflag:s16] =	ssyncset.done $0x0  }
0x6e: {  	[sflag:s16] =	ssyncadd.s32 $0xFFFFEC78  }
0x6f: {  	_ =	sfence.sel $0x180000  }
0x70: {  	[bflag:$0x0] =	sbarrier.arrive $0xFFFF  }
0x71: {  	p0 =	sne.s32 s1, $0x0;
	_ =	strace $0x9000004A  }
0x72: {  	s0 =	sadd.s32 @!p0 $0x100000, s0;
	[bflag:$0x2] =	sbarrier.arrive $0xFFFF  }
0x73: {  	[sflag:s0] =	ssyncadd.tile.s32 @!p0 $0x1;
	_ =	shalt  }
.Lfunc_end2:
_tile_overlayer_lowered:
.L_overlay_start_2:
0x74: {  	(tag) =	ssettag $0x2  }
0x75: {  	s0 =	rddreg [dreg:$0x0];
	s2 =	stileid.u32  }
0x76: {  	s1 =	rddreg [dreg:$0x1];
	p0 =	sne.s32 s2, $0x0  }
0x77: {  	s3 =	rddreg [dreg:$0x2];
	[bflag:$0x3] =	sbarrier.arrive $0xFFFF;
	s2 =	simm.s32 @!p0 $0x1C01  }
0x78: {  	[timem:s3], [sflag:s2] =	dma.local @!p0 [hbm:s0], s1  }
0x79: {  	s0 =	simm.s32 @!p0 $0x1  }
0x7a: {  	_ =	swait.ge @!p0 [sflag:s0], s1  }
0x7b: {  	s1 =	ssub.s32 @!p0 $0x0, s1;
	[sflag:s0] =	ssyncset.done @!p0 $0x0  }
0x7c: {  	[sflag:s0] =	ssyncadd.s32 @!p0 s1  }
0x7d: {  	[bflag:$0x3] =	sbarrier.arrive $0xFFFF  }
0x7e: {  	_ =	shalt  }

// kernel: kernel.16.cloned.1.call-start
scs
__scs_entry_jumppad:
0x0: {  	(pc) =	sbr.rel $0x88, $3  }
0x1: {  	(tag) =	ssettag $0x0;
	lr =	simm.s32 $0x1  }
0x2: {  	[smem:$0x3F97] =	sst lr;
	_ =	strace $0xD0000000  }
0x3: {  	_ = 	snop  }
0x4: {  	_ = 	snop  }
0x5: {  	_ = 	snop  }
0x6: {  	_ = 	snop  }
0x7: {  	_ = 	snop  }
__scs_overlays_trampoline_lowered:
0x8: {  	[smem:$0x3FA6] =	sst s0  }
0x9: {  	[smem:$0x3FA7] =	sst s1  }
0xa: {  	[smem:$0x3FA8] =	sst s2  }
0xb: {  	[smem:$0x3FA9] =	sst s3  }
0xc: {  	[smem:$0x3FAA] =	sst s4  }
0xd: {  	[smem:$0x3FAB] =	sst s5  }
0xe: {  	[smem:$0x3FAC] =	sst s6  }
0xf: {  	[smem:$0x3FAD] =	sst s7  }
0x10: {  	[smem:$0x3FAE] =	sst s8  }
0x11: {  	[smem:$0x3FAF] =	sst s9;
	s0 =	simm.s32 @!p0 $0x0  }
0x12: {  	s1 =	sld [smem:$0x3F95];
	s0 =	simm.s32 @p0 $0x1  }
0x13: {  	[smem:$0x3FB0] =	sst s0;
	s0 =	simm.s32 @!p1 $0x0  }
0x14: {  	s2 =	sld [smem:$0x3F94];
	s0 =	simm.s32 @p1 $0x1  }
0x15: {  	[smem:$0x3FB1] =	sst s0;
	s0 =	simm.s32 @!p2 $0x0  }
0x16: {  	s3 =	sld [smem:$0x3FDB];
	s0 =	simm.s32 @p2 $0x1  }
0x17: {  	s4 =	simm.s32 $0x1BF5;
	[smem:$0x3FB3] =	sst s0  }
0x18: {  	s0 =	sld [smem:$0x3F96];
	_ =	swait.ge [sflag:s4], $0x0  }
0x19: {  	s7 =	sld [smem:$0x3F97]  }
0x1a: {  	s8 =	sadd.s32 $0xFFFFE003, lr  }
0x1b: {  	s9 =	sadd.s32 $0xFFFFFEF7, lr;
	s5 =	simm.s32 $0xFFFFFFFF;
	p2 =	slt.u32 s8, $0xFFFFF086  }
0x1c: {  	p1 =	slt.u32 s9, $0xF7A;
	s5 =	simm.s32 @!p2 $0x0  }
0x1d: {  	s5 =	simm.s32 @p1 $0x1;
	p0 =	seq.s32 s7, s2  }
0x1e: {  	s7 =	smul.u32 @!p0 $0xF7A, s2;
	p2 =	seq.s32 @!p0 s5, $0x0  }
0x1f: {  	s9 =	smul.u32 $0xF7A, s1;
	s8 =	simm.s32 @!p0 $0x1BF5;
	p2 =	por !p2, p0  }
0x20: {  	[sflag:s8] =	ssyncset.s32 @!p0 $0xFFFFF086;
	s6 =	sadd.s32 @!p0 s3, s7;
	s7 =	simm.s32 @!p0 $0x108  }
0x21: {  	s3 =	sadd.s32 s3, s9;
	s6 =	sadd.s32 @!p0 $0x88, s6;
	s7 =	simm.s32 @p2 $0x1082  }
0x22: {  	[simem:s7], [sflag:s8] =	dma.local @!p0 [hbm:s6], $0xF7A  }
0x23: {  	s9 =	sor.u32 $0xD0000000, s2;
	s6 =	simm.s32 $0x108;
	_ =	swait.ge @!p0 [sflag:s8], $0x0  }
0x24: {  	s3 =	sadd.s32 $0x88, s3;
	s6 =	simm.s32 @!p1 $0x1082;
	[sflag:s4] =	ssyncset.s32 $0xFFFFF086  }
0x25: {  	[simem:s6], [sflag:s4] =	dma.local [hbm:s3], $0xF7A  }
0x26: {  	[smem:$0x3F97] =	sst s1;
	(tag) =	ssettag s2;
	_ =	strace s9  }
0x27: {  	s1 =	sld [smem:$0x3FA7]  }
0x28: {  	s2 =	sld [smem:$0x3FA8]  }
0x29: {  	s4 =	sld [smem:$0x3FAA]  }
0x2a: {  	p0 =	seq.s32 s5, $0x0;
	s5 =	sld [smem:$0x3FAB]  }
0x2b: {  	s6 =	sld [smem:$0x3FAC]  }
0x2c: {  	s7 =	sld [smem:$0x3FAD]  }
0x2d: {  	s3 =	simm.s32 $0x108;
	s8 =	sld [smem:$0x3FAE]  }
0x2e: {  	s3 =	simm.s32 @!p0 $0x1082;
	s9 =	sld [smem:$0x3FAF]  }
0x2f: {  	lr =	sadd.s32 s0, s3;
	s0 =	sld [smem:$0x3FA6]  }
0x30: {  	s3 =	sld [smem:$0x3FA9]  }
0x31: {  	[smem:$0x3FB2] =	sst s10  }
0x32: {  	s10 =	sld [smem:$0x3FB0];
	_ =	sdelay $0x3  }
0x33: {  	p0 =	seq.s32 s10, $0x1;
	s10 =	sld [smem:$0x3FB2];
	_ =	sdelay $0x3  }
0x34: {  	[smem:$0x3FB2] =	sst s10  }
0x35: {  	s10 =	sld [smem:$0x3FB1];
	_ =	sdelay $0x3  }
0x36: {  	p1 =	seq.s32 s10, $0x1;
	s10 =	sld [smem:$0x3FB2];
	_ =	sdelay $0x3  }
0x37: {  	[smem:$0x3FB2] =	sst s10  }
0x38: {  	s10 =	sld [smem:$0x3FB3]  }
0x39: {  	_ = 	snop;
	(pc) =	sbr.ind lr, $3  }
0x3a: {  	_ = 	snop  }
0x3b: {  	_ = 	snop  }
0x3c: {  	p2 =	seq.s32 s10, $0x1;
	s10 =	sld [smem:$0x3FB2]  }
0x3d: {  	_ =	shalt  }
0x3e: {  	_ =	shalt  }
0x3f: {  	_ =	shalt  }
0x40: {  	_ =	shalt  }
0x41: {  	_ =	shalt  }
0x42: {  	_ =	shalt  }
0x43: {  	_ =	shalt  }
0x44: {  	_ =	shalt  }
0x45: {  	_ =	shalt  }
0x46: {  	_ =	shalt  }
0x47: {  	_ =	shalt  }
0x48: {  	_ =	shalt  }
0x49: {  	_ =	shalt  }
0x4a: {  	_ =	shalt  }
0x4b: {  	_ =	shalt  }
0x4c: {  	_ =	shalt  }
0x4d: {  	_ =	shalt  }
0x4e: {  	_ =	shalt  }
0x4f: {  	_ =	shalt  }
0x50: {  	_ =	shalt  }
0x51: {  	_ =	shalt  }
0x52: {  	_ =	shalt  }
0x53: {  	_ =	shalt  }
0x54: {  	_ =	shalt  }
0x55: {  	_ =	shalt  }
0x56: {  	_ =	shalt  }
0x57: {  	_ =	shalt  }
0x58: {  	_ =	shalt  }
0x59: {  	_ =	shalt  }
0x5a: {  	_ =	shalt  }
0x5b: {  	_ =	shalt  }
0x5c: {  	_ =	shalt  }
0x5d: {  	_ =	shalt  }
0x5e: {  	_ =	shalt  }
0x5f: {  	_ =	shalt  }
0x60: {  	_ =	shalt  }
0x61: {  	_ =	shalt  }
0x62: {  	_ =	shalt  }
0x63: {  	_ =	shalt  }
0x64: {  	_ =	shalt  }
0x65: {  	_ =	shalt  }
0x66: {  	_ =	shalt  }
0x67: {  	_ =	shalt  }
0x68: {  	_ =	shalt  }
0x69: {  	_ =	shalt  }
0x6a: {  	_ =	shalt  }
0x6b: {  	_ =	shalt  }
0x6c: {  	_ =	shalt  }
0x6d: {  	_ =	shalt  }
0x6e: {  	_ =	shalt  }
0x6f: {  	_ =	shalt  }
0x70: {  	_ =	shalt  }
0x71: {  	_ =	shalt  }
0x72: {  	_ =	shalt  }
0x73: {  	_ =	shalt  }
0x74: {  	_ =	shalt  }
0x75: {  	_ =	shalt  }
0x76: {  	_ =	shalt  }
0x77: {  	_ =	shalt  }
0x78: {  	_ =	shalt  }
0x79: {  	_ =	shalt  }
0x7a: {  	_ =	shalt  }
0x7b: {  	_ =	shalt  }
0x7c: {  	_ =	shalt  }
0x7d: {  	_ =	shalt  }
0x7e: {  	_ =	shalt  }
0x7f: {  	_ =	shalt  }
0x80: {  	_ =	shalt  }
0x81: {  	_ =	shalt  }
0x82: {  	_ =	shalt  }
0x83: {  	_ =	shalt  }
0x84: {  	_ =	shalt  }
0x85: {  	_ =	shalt  }
0x86: {  	_ =	shalt  }
0x87: {  	_ =	shalt  }
.Lfunc_end0:
.L_simem_size_0:
called_computation.2_lowered:
.L_overlay_start_0:
0x88: {  	s2 =	sld [smem:$0x3FD9]  }
0x89: {  	s3 =	sld [smem:$0x3FFE];
	_ =	sdelay $0x1  }
0x8a: {  	s1 =	srdreg.scid  }
0x8b: {  	s0 =	sand.u32 $0x1, s1  }
0x8c: {  	s16 =	sshll.u32 s0, $0xA;
	s2 =	sadd.s32 s3, s2  }
0x8d: {  	s2 =	sadd.s32 s2, s16  }
0x8e: {  	[smem:$0x3FBE] =	sst s2  }
0x8f: {  	_ = 	snop  }
0x90: {  	(tm) =	ssettm $0x1  }
0x91: {  	s17 =	sld [smem:$0x3FFB];
	_ =	sdelay $0x3  }
0x92: {  	_ =	strace s17  }
0x93: {  	s2 =	sld [smem:$0x3FFC];
	_ =	sdelay $0x3  }
0x94: {  	_ =	strace s2  }
0x95: {  	s2 =	sld [smem:$0x3FFD];
	_ =	sdelay $0x3  }
0x96: {  	_ =	strace s2  }
0x97: {  	_ =	strace $0x8FFFFFFF  }
0x98: {  	s18 =	sld [smem:$0x3FDB];
	_ =	sdelay $0x1  }
0x99: {  	s19 =	simm.s32 $_scs_section_size  }
0x9a: {  	s4 =	simm.s32 $_size__tile_overlayer_lowered;
	s5 =	simm.s32 $_tile_overlayer_lowered  }
0x9b: {  	s22 =	simm.s32 $0x1BFF;
	s21 =	sshll.u32 s5, $0x1;
	s2 =	sadd.s32 s19, s18  }
0x9c: {  	s6 =	simm.s32 $0x0;
	s20 =	sshll.u32 s4, $0x1;
	s4 =	sadd.s32 s21, s2  }
0x9d: {  	[timem:s6], [sflag:s22] =	dma.local [hbm:s4], s20  }
0x9e: {  	_ =	swait.ge [sflag:s22], s20  }
0x9f: {  	s3 =	ssub.s32 $0x0, s20;
	[sflag:s22] =	ssyncset.done $0x0  }
0xa0: {  	[sflag:s22] =	ssyncadd.s32 s3;
	_ =	sdelay $0x1  }
0xa1: {  	s23 =	simm.s32 $0x1B8B  }
0xa2: {  	_ =	swait.ge [sflag:s23], $0x1  }
0xa3: {  	[sflag:s23] =	ssyncset.done $0x0  }
0xa4: {  	s25 =	simm.s32 $0x1B8E;
	s24 =	sld [smem:$0x3FFE];
	[sflag:s23] =	ssyncadd.s32 $0xFFFFFFFF  }
0xa5: {  	s26 =	simm.s32 $execute0_lowered;
	[smem:$0x3FD2] =	sst s25  }
0xa6: {  	s4 =	sshll.u32 s26, $0x1;
	_ =	strace $0x8000004C;
	[dreg:$0x1] =	wrdreg $0xFFFFFFFF  }
0xa7: {  	s28 =	simm.s32 $_size_execute0_lowered;
	s2 =	sadd.s32 s2, s4;
	[dreg:$0x0] =	wrdreg $0x0  }
0xa8: {  	s4 =	sshll.u32 s28, $0x1;
	[dreg:$0x2] =	wrdreg s2  }
0xa9: {  	[dreg:$0x3] =	wrdreg s4  }
0xaa: {  	[dreg:$0x4] =	wrdreg $0xC0  }
0xab: {  	_ =	task [dreg:s6], $0x5FFFF  }
0xac: {  	[dreg:$0x1] =	wrdreg $0xFFFFFFFF  }
0xad: {  	[dreg:$0x0] =	wrdreg $0x60  }
0xae: {  	[dreg:$0x2] =	wrdreg s24  }
0xaf: {  	[dreg:$0x3] =	wrdreg $0xEA600  }
0xb0: {  	[dreg:$0x4] =	wrdreg $0x9  }
0xb1: {  	_ =	task.clear_ibuf [dreg:s6], $0x5FFFF;
	_ =	strace $0x9000004C  }
0xb2: {  	s29 =	simm.s32 $0x9;
	_ =	strace $0x8000004E  }
0xb3: {  	_ =	swait.ge [sflag:s29], $0x1  }
0xb4: {  	[sflag:s29] =	ssyncadd.s32 $0xFFFFFFFF  }
0xb5: {  	_ =	strace $0x9000004E  }
0xb6: {  	_ =	sfence  }
0xb7: {  	s30 =	sld [smem:$0x0];
	_ =	sdelay $0x2  }
0xb8: {  	s31 =	sshll.u32 s1, $0xD;
	s1 =	sshrl.u32 s1, $0x2  }
0xb9: {  	s3 =	sand.u32 $0x4000, s31;
	s1 =	sadd.s32 s1, s30  }
0xba: {  	s0 =	sor.u32 s3, s0;
	s1 =	sshll.u32 s1, $0x11  }
0xbb: {  	s0 =	sor.u32 s1, s0  }
0xbc: {  	s0 =	sadd.s32 $0x8F2B, s0  }
0xbd: {  	[sflag:s0] =	ssyncadd.remote.s32 $0x1  }
0xbe: {  	_ =	sfence.sel $0xFFFF  }
0xbf: {  	[dreg:$0x0] =	wrdreg $0xFFFFFFFF;
	(pc) =	sbr.abs _section_cstart, $3  }
0xc0: {  	[dreg:$0x1] =	wrdreg $0xFFFFFFFF  }
0xc1: {  	_ =	task.clear_ibuf [dreg:s6], $0x2FFFF;
	_ =	strace $0x9FFFFFFF  }
0xc2: {  	(tm) =	ssettm $0x7FFFFFFF  }
0xc3: {  	_ =	shalt  }
tec
execute0_lowered:
.L_overlay_start_1:
0x0: {  	(tag) =	ssettag $0x1  }
0x1: {  	s4 =	rddreg [dreg:$0x0]  }
0x2: {  	s2 =	rddreg [dreg:$0x1];
	s1 =	stileid.u32  }
0x3: {  	s3 =	srdreg.scid;
	s0 =	rddreg [dreg:$0x2];
	s13 =	simm.s32 $0x9C40  }
0x4: {  	s14 =	simm.s32 $0x1;
	s15 =	simm.s32 $0xC350;
	s16 =	simm.s32 $0x1388  }
0x5: {  	s17 =	simm.s32 $0x2710;
	s18 =	simm.s32 $0x3A98;
	s19 =	simm.s32 $0x61A8  }
0x6: {  	s20 =	simm.s32 $0x4E20;
	s21 =	simm.s32 $0x7530;
	s22 =	simm.s32 $0x88B8  }
0x7: {  	s23 =	simm.s32 $0x0;
	s5 =	sand.u32 $0x1, s3;
	s6 =	sshll.u32 s1, $0x1  }
0x8: {  	s3 =	simm.s32 $0x0;
	s7 =	smul.u32 $0x2710, s1;
	s6 =	sor.u32 s5, s6  }
0x9: {  	[smem:$0x7FF] =	sst s3;
	s5 =	ssub.s32 $0x2, s5;
	s6 =	smul.u32 $0x271, s6  }
0xa: {  	_ =	strace $0x8000004D;
	s8 =	sshrl.u32 s7, $0x3;
	s31 =	sshrl.u32 s5, $0x1  }
0xb: {  	s8 =	sadd.s32 s8, s4;
	s12 =	ssub.s32 s5, s31;
	s11 =	sadd.s32 s6, s4  }
0xc: {  	s4 =	sadd.s32 $0x20600, s8;
	s5 =	sadd.s32 $0x25420, s8;
	s6 =	sadd.s32 s7, s2  }
0xd: {  	s12 =	smax.u32 s12, $0x1;
	s7 =	sadd.s32 $0x7600, s11;
	s8 =	sadd.s32 $0xC600, s11  }
0xe: {  	s9 =	sadd.s32 $0x16600, s11;
	s10 =	sadd.s32 $0x1B600, s11;
	s11 =	sadd.s32 $0x2600, s11  }
.LBB2_1:
0xf: {  	[tilespmem:s13], [sflag:$0x1] =	stream.linear.gather [hbm4b:s4+s3], $0x2710, $0x38;
	[tilespmem:$0x11170] =	vst v63  }
0x10: {  	_ =	swait.ge [sflag:s14], $0x2710  }
0x11: {  	[sflag:s14] =	ssyncset.done $0x0  }
0x12: {  	[sflag:s14] =	ssyncadd.s32 $0xFFFFD8F0  }
0x13: {  	[tilespmem:s15], [sflag:$0x1] =	stream.linear.gather [hbm4b:s5+s3], $0x2710, $0x38;
	[tilespmem:$0x11170] =	vst v63  }
0x14: {  	_ =	swait.ge [sflag:s14], $0x2710  }
0x15: {  	[sflag:s14] =	ssyncset.done $0x0  }
0x16: {  	s24 =	simm.s32 $0x0;
	[sflag:s14] =	ssyncadd.s32 $0xFFFFD8F0  }
0x17: {  	s25 =	simm.s32 $0x40;
	v0 =	vld [tilespmem:s24+$0xC350]  }
.LBB2_2:
0x18: {  	p0 =	sne.s32 s25, $0x9C00;
	v1 =	vld [tilespmem:s24+$0x9C40];
	_ =	sdelay $0x2  }
.Ltmp0:
0x19: {  	(pc) =	sbr.rel @p0 .LBB2_2-.Ltmp0, $4  }
0x1a: {  	_ = 	snop  }
0x1b: {  	v1 =	vadd.f32 v0, v1  }
0x1c: {  	s26 =	sshra.s32 s25, $0x2  }
0x1d: {  	s25 =	sadd.s32 $0x40, s25;
	v0 =	vld [tilespmem:s26+$0xC350];
	[tilespmem:s24+$0x9C40] =	vst v1;
	s24 =	smov.u32 s26  }
0x1e: {  	v1 =	vld [tilespmem:s24+$0x9C40];
	_ =	sdelay $0x4  }
0x1f: {  	v0 =	vadd.f32 v0, v1;
	_ =	sdelay $0x1  }
0x20: {  	[tilespmem:s24+$0x9C40] =	vst v0  }
0x21: {  	[spmem:s6] =	stream.linear.scatter [tilespmem:s13], [sflag:$0x1], $0x2710, $0x38;
	[tilespmem:$0x11170] =	vst v63  }
0x22: {  	_ =	swait.ge [sflag:s14], $0x2710  }
0x23: {  	[sflag:s14] =	ssyncset.done $0x0  }
0x24: {  	[sflag:s14] =	ssyncadd.s32 $0xFFFFD8F0  }
0x25: {  	s31 =	simm.s32 $0x0;
	[bflag:$0x0] =	sbarrier.arrive $0xFFFF  }
0x26: {  	[tilespmem:s31], [sflag:$0x1] =	stream.linear.gather [hbm4b:s7+s31], $0x1388, $0x38;
	[tilespmem:$0x11170] =	vst v63  }
0x27: {  	_ =	swait.ge [sflag:s14], $0x1388  }
0x28: {  	[sflag:s14] =	ssyncset.done $0x0  }
0x29: {  	[sflag:s14] =	ssyncadd.s32 $0xFFFFEC78  }
0x2a: {  	[tilespmem:s16], [sflag:$0x1] =	stream.linear.gather [hbm4b:s8+s31], $0x1388, $0x38;
	[tilespmem:$0x11170] =	vst v63  }
0x2b: {  	_ =	swait.ge [sflag:s14], $0x1388  }
0x2c: {  	[sflag:s14] =	ssyncset.done $0x0  }
0x2d: {  	[sflag:s14] =	ssyncadd.s32 $0xFFFFEC78  }
0x2e: {  	[tilespmem:s17], [sflag:$0x1] =	stream.linear.gather [hbm4b:s9+s31], $0x1388, $0x38;
	[tilespmem:$0x11170] =	vst v63  }
0x2f: {  	_ =	swait.ge [sflag:s14], $0x1388  }
0x30: {  	[sflag:s14] =	ssyncset.done $0x0  }
0x31: {  	[sflag:s14] =	ssyncadd.s32 $0xFFFFEC78  }
0x32: {  	[tilespmem:s18], [sflag:$0x1] =	stream.linear.gather [hbm4b:s10+s31], $0x1388, $0x38;
	[tilespmem:$0x11170] =	vst v63  }
0x33: {  	_ =	swait.ge [sflag:s14], $0x1388  }
0x34: {  	[sflag:s14] =	ssyncset.done $0x0  }
0x35: {  	[sflag:s14] =	ssyncadd.s32 $0xFFFFEC78  }
0x36: {  	[tilespmem:s19], [sflag:$0x1] =	stream.indirect.gather [spmem:s2], $0x1, s17, s16, $0xb8;
	[tilespmem:$0x11170] =	vst v63  }
0x37: {  	_ =	swait.ge [sflag:s14], $0x1388  }
0x38: {  	[sflag:s14] =	ssyncset.done $0x0  }
0x39: {  	s24 =	simm.s32 $0x0;
	[sflag:s14] =	ssyncadd.s32 $0xFFFFEC78  }
0x3a: {  	v0 =	vld [tilespmem:s24+$0x3A98]  }
0x3b: {  	s25 =	simm.s32 $0x40  }
.LBB2_4:
0x3c: {  	p0 =	sne.s32 s25, $0x4DC0  }
.Ltmp1:
0x3d: {  	_ = 	snop;
	(pc) =	sbr.rel @p0 .LBB2_4-.Ltmp1, $4  }
0x3e: {  	_ = 	snop  }
0x3f: {  	s26 =	sshra.s32 s25, $0x2;
	s25 =	sadd.s32 $0x40, s25;
	vm0 =	vgt.s32 v0, $0x0  }
0x40: {  	v1 =	vnsel vm0, $0x0, v0;
	v0 =	vld [tilespmem:s26+$0x3A98]  }
0x41: {  	[tilespmem:s24+$0x4E20] =	vst v1;
	s24 =	smov.u32 s26  }
0x42: {  	_ =	sdelay $0x2  }
0x43: {  	vm0 =	vgt.s32 v0, $0x0  }
0x44: {  	v0 =	vnsel vm0, $0x0, v0  }
0x45: {  	[tilespmem:s24+$0x4E20] =	vst v0  }
0x46: {  	v0 =	vld [tilespmem:$0x4E10];
	_ =	sdelay $0x4  }
0x47: {  	vm0 =	vgt.s32 v0, $0x0  }
0x48: {  	v0 =	vnsel vm0, $0x0, v0  }
0x49: {  	[tilespmem:$0x6198] =	vst v0  }
0x4a: {  	[tilespmem:s21], [sflag:$0x1] =	stream.indirect.gather [spmem:s2], $0x1, s20, s16, $0xb8;
	[tilespmem:$0x11170] =	vst v63  }
0x4b: {  	_ =	swait.ge [sflag:s14], $0x1388  }
0x4c: {  	[sflag:s14] =	ssyncset.done $0x0  }
0x4d: {  	s24 =	simm.s32 $0x0;
	[sflag:s14] =	ssyncadd.s32 $0xFFFFEC78  }
0x4e: {  	v0 =	vld [tilespmem:s24+$0x3A98]  }
0x4f: {  	v1 =	vld [tilespmem:s24+$0x7530]  }
0x50: {  	v4 =	vld [tilespmem:s24+$0x61A8];
	_ =	sdelay $0x1  }
0x51: {  	v5 =	vld [tilespmem:s24+$0x0]  }
0x52: {  	s25 =	simm.s32 $0x10;
	v6 =	vld [tilespmem:s24+$0x1388];
	vm0 =	vgt.s32 v0, $0xFFFFFFFF  }
0x53: {  	v2 =	vld [tilespmem:s25+$0x3A98];
	v0 =	vnsel vm0, $0x0, v1  }
0x54: {  	v3 =	vld [tilespmem:s25+$0x7530];
	v0 =	vadd.f32 v0, v4  }
0x55: {  	v1 =	vld [tilespmem:s25+$0x61A8]  }
0x56: {  	v4 =	vmul.f32 $5.000000000e-01, v0  }
0x57: {  	s26 =	simm.s32 $0x80;
	vm0 =	veq.s32 v5, v6;
	v0 =	vld [tilespmem:s25+$0x0]  }
.LBB2_6:
0x58: {  	s28 =	sshra.s32 s26, $0x2;
	p0 =	sne.s32 s26, $0x4DC0;
	s26 =	sadd.s32 $0x40, s26;
	vm1 =	vgt.s32 v2, $0xFFFFFFFF;
	v5 =	vld [tilespmem:s25+$0x1388];
	v4 =	vsel vm0, $0x0, v4  }
.Ltmp2:
0x59: {  	v2 =	vld [tilespmem:s28+$0x3A98];
	v6 =	vnsel vm1, $0x0, v3;
	[tilespmem:s24+$0x88B8] =	vst v4;
	s24 =	smov.u32 s25;
	s25 =	smov.u32 s28;
	(pc) =	sbr.rel @p0 .LBB2_6-.Ltmp2, $4  }
0x5a: {  	v3 =	vld [tilespmem:s25+$0x7530];
	v4 =	vadd.f32 v6, v1  }
0x5b: {  	v1 =	vld [tilespmem:s25+$0x61A8]  }
0x5c: {  	v4 =	vmul.f32 $5.000000000e-01, v4  }
0x5d: {  	vm0 =	veq.s32 v0, v5;
	v0 =	vld [tilespmem:s25+$0x0]  }
0x5e: {  	vm1 =	vgt.s32 v2, $0xFFFFFFFF;
	v59 =	vld [tilespmem:s25+$0x1388]  }
0x5f: {  	v3 =	vnsel vm1, $0x0, v3  }
0x60: {  	v1 =	vadd.f32 v3, v1;
	_ =	sdelay $0x1  }
0x61: {  	v1 =	vmul.f32 $5.000000000e-01, v1  }
0x62: {  	v60 =	vsel vm0, $0x0, v4;
	vm13 =	veq.s32 v0, v59  }
0x63: {  	[tilespmem:s24+$0x88B8] =	vst v60;
	v0 =	vsel vm13, $0x0, v1  }
0x64: {  	[tilespmem:s25+$0x88B8] =	vst v0  }
0x65: {  	v0 =	vld [tilespmem:$0x4E10]  }
0x66: {  	v61 =	vld [tilespmem:$0x88A8]  }
0x67: {  	v62 =	vld [tilespmem:$0x7520];
	_ =	sdelay $0x1  }
0x68: {  	v3 =	vld [tilespmem:$0x1378]  }
0x69: {  	v63 =	vld [tilespmem:$0x2700];
	vm14 =	vgt.s32 v0, $0xFFFFFFFF  }
0x6a: {  	v1 =	vnsel vm14, $0x0, v61  }
0x6b: {  	v1 =	vadd.f32 v1, v62;
	_ =	sdelay $0x1  }
0x6c: {  	v1 =	vmul.f32 $5.000000000e-01, v1  }
0x6d: {  	s23 =	sadd.s32 $0x1, s23;
	vm15 =	veq.s32 v3, v63  }
0x6e: {  	p0 =	sne.s32 s23, s12;
	v0 =	vsel vm15, $0x0, v1  }
.Ltmp3:
0x6f: {  	[tilespmem:$0x9C30] =	vst v0;
	(pc) =	sbr.rel @p0 .LBB2_1-.Ltmp3, $4  }
0x70: {  	[hbm4b:s11+s3] =	stream.linear.scatter [tilespmem:s22], [sflag:$0x1], $0x1388, $0x38;
	[tilespmem:$0x11170] =	vst v63  }
0x71: {  	_ =	swait.ge [sflag:s14], $0x1388  }
0x72: {  	[sflag:s14] =	ssyncset.done $0x0  }
0x73: {  	[sflag:s14] =	ssyncadd.s32 $0xFFFFEC78  }
0x74: {  	_ =	sfence.sel $0x180000  }
0x75: {  	[bflag:$0x0] =	sbarrier.arrive $0xFFFF  }
0x76: {  	p0 =	sne.s32 s1, $0x0;
	_ =	strace $0x9000004D  }
0x77: {  	s0 =	sadd.s32 @!p0 $0x100000, s0;
	[bflag:$0x2] =	sbarrier.arrive $0xFFFF  }
0x78: {  	[sflag:s0] =	ssyncadd.tile.s32 @!p0 $0x1;
	_ =	shalt  }
.Lfunc_end2:
_tile_overlayer_lowered:
.L_overlay_start_2:
0x79: {  	(tag) =	ssettag $0x2  }
0x7a: {  	s0 =	rddreg [dreg:$0x0];
	s2 =	stileid.u32  }
0x7b: {  	s1 =	rddreg [dreg:$0x1];
	p0 =	sne.s32 s2, $0x0  }
0x7c: {  	s3 =	rddreg [dreg:$0x2];
	[bflag:$0x3] =	sbarrier.arrive $0xFFFF;
	s2 =	simm.s32 @!p0 $0x1C01  }
0x7d: {  	[timem:s3], [sflag:s2] =	dma.local @!p0 [hbm:s0], s1  }
0x7e: {  	s0 =	simm.s32 @!p0 $0x1  }
0x7f: {  	_ =	swait.ge @!p0 [sflag:s0], s1  }
0x80: {  	s1 =	ssub.s32 @!p0 $0x0, s1;
	[sflag:s0] =	ssyncset.done @!p0 $0x0  }
0x81: {  	[sflag:s0] =	ssyncadd.s32 @!p0 s1  }
0x82: {  	[bflag:$0x3] =	sbarrier.arrive $0xFFFF  }
0x83: {  	_ =	shalt  }

// kernel: kernel.19.cloned.1.call-start
scs
__scs_entry_jumppad:
0x0: {  	(pc) =	sbr.rel $0x88, $3  }
0x1: {  	(tag) =	ssettag $0x0;
	lr =	simm.s32 $0x1  }
0x2: {  	[smem:$0x3F97] =	sst lr;
	_ =	strace $0xD0000000  }
0x3: {  	_ = 	snop  }
0x4: {  	_ = 	snop  }
0x5: {  	_ = 	snop  }
0x6: {  	_ = 	snop  }
0x7: {  	_ = 	snop  }
__scs_overlays_trampoline_lowered:
0x8: {  	[smem:$0x3FA6] =	sst s0  }
0x9: {  	[smem:$0x3FA7] =	sst s1  }
0xa: {  	[smem:$0x3FA8] =	sst s2  }
0xb: {  	[smem:$0x3FA9] =	sst s3  }
0xc: {  	[smem:$0x3FAA] =	sst s4  }
0xd: {  	[smem:$0x3FAB] =	sst s5  }
0xe: {  	[smem:$0x3FAC] =	sst s6  }
0xf: {  	[smem:$0x3FAD] =	sst s7  }
0x10: {  	[smem:$0x3FAE] =	sst s8  }
0x11: {  	[smem:$0x3FAF] =	sst s9;
	s0 =	simm.s32 @!p0 $0x0  }
0x12: {  	s1 =	sld [smem:$0x3F95];
	s0 =	simm.s32 @p0 $0x1  }
0x13: {  	[smem:$0x3FB0] =	sst s0;
	s0 =	simm.s32 @!p1 $0x0  }
0x14: {  	s2 =	sld [smem:$0x3F94];
	s0 =	simm.s32 @p1 $0x1  }
0x15: {  	[smem:$0x3FB1] =	sst s0;
	s0 =	simm.s32 @!p2 $0x0  }
0x16: {  	s3 =	sld [smem:$0x3FDB];
	s0 =	simm.s32 @p2 $0x1  }
0x17: {  	s4 =	simm.s32 $0x1BF5;
	[smem:$0x3FB3] =	sst s0  }
0x18: {  	s0 =	sld [smem:$0x3F96];
	_ =	swait.ge [sflag:s4], $0x0  }
0x19: {  	s7 =	sld [smem:$0x3F97]  }
0x1a: {  	s8 =	sadd.s32 $0xFFFFE003, lr  }
0x1b: {  	s9 =	sadd.s32 $0xFFFFFEF7, lr;
	s5 =	simm.s32 $0xFFFFFFFF;
	p2 =	slt.u32 s8, $0xFFFFF086  }
0x1c: {  	p1 =	slt.u32 s9, $0xF7A;
	s5 =	simm.s32 @!p2 $0x0  }
0x1d: {  	s5 =	simm.s32 @p1 $0x1;
	p0 =	seq.s32 s7, s2  }
0x1e: {  	s7 =	smul.u32 @!p0 $0xF7A, s2;
	p2 =	seq.s32 @!p0 s5, $0x0  }
0x1f: {  	s9 =	smul.u32 $0xF7A, s1;
	s8 =	simm.s32 @!p0 $0x1BF5;
	p2 =	por !p2, p0  }
0x20: {  	[sflag:s8] =	ssyncset.s32 @!p0 $0xFFFFF086;
	s6 =	sadd.s32 @!p0 s3, s7;
	s7 =	simm.s32 @!p0 $0x108  }
0x21: {  	s3 =	sadd.s32 s3, s9;
	s6 =	sadd.s32 @!p0 $0x88, s6;
	s7 =	simm.s32 @p2 $0x1082  }
0x22: {  	[simem:s7], [sflag:s8] =	dma.local @!p0 [hbm:s6], $0xF7A  }
0x23: {  	s9 =	sor.u32 $0xD0000000, s2;
	s6 =	simm.s32 $0x108;
	_ =	swait.ge @!p0 [sflag:s8], $0x0  }
0x24: {  	s3 =	sadd.s32 $0x88, s3;
	s6 =	simm.s32 @!p1 $0x1082;
	[sflag:s4] =	ssyncset.s32 $0xFFFFF086  }
0x25: {  	[simem:s6], [sflag:s4] =	dma.local [hbm:s3], $0xF7A  }
0x26: {  	[smem:$0x3F97] =	sst s1;
	(tag) =	ssettag s2;
	_ =	strace s9  }
0x27: {  	s1 =	sld [smem:$0x3FA7]  }
0x28: {  	s2 =	sld [smem:$0x3FA8]  }
0x29: {  	s4 =	sld [smem:$0x3FAA]  }
0x2a: {  	p0 =	seq.s32 s5, $0x0;
	s5 =	sld [smem:$0x3FAB]  }
0x2b: {  	s6 =	sld [smem:$0x3FAC]  }
0x2c: {  	s7 =	sld [smem:$0x3FAD]  }
0x2d: {  	s3 =	simm.s32 $0x108;
	s8 =	sld [smem:$0x3FAE]  }
0x2e: {  	s3 =	simm.s32 @!p0 $0x1082;
	s9 =	sld [smem:$0x3FAF]  }
0x2f: {  	lr =	sadd.s32 s0, s3;
	s0 =	sld [smem:$0x3FA6]  }
0x30: {  	s3 =	sld [smem:$0x3FA9]  }
0x31: {  	[smem:$0x3FB2] =	sst s10  }
0x32: {  	s10 =	sld [smem:$0x3FB0];
	_ =	sdelay $0x3  }
0x33: {  	p0 =	seq.s32 s10, $0x1;
	s10 =	sld [smem:$0x3FB2];
	_ =	sdelay $0x3  }
0x34: {  	[smem:$0x3FB2] =	sst s10  }
0x35: {  	s10 =	sld [smem:$0x3FB1];
	_ =	sdelay $0x3  }
0x36: {  	p1 =	seq.s32 s10, $0x1;
	s10 =	sld [smem:$0x3FB2];
	_ =	sdelay $0x3  }
0x37: {  	[smem:$0x3FB2] =	sst s10  }
0x38: {  	s10 =	sld [smem:$0x3FB3]  }
0x39: {  	_ = 	snop;
	(pc) =	sbr.ind lr, $3  }
0x3a: {  	_ = 	snop  }
0x3b: {  	_ = 	snop  }
0x3c: {  	p2 =	seq.s32 s10, $0x1;
	s10 =	sld [smem:$0x3FB2]  }
0x3d: {  	_ =	shalt  }
0x3e: {  	_ =	shalt  }
0x3f: {  	_ =	shalt  }
0x40: {  	_ =	shalt  }
0x41: {  	_ =	shalt  }
0x42: {  	_ =	shalt  }
0x43: {  	_ =	shalt  }
0x44: {  	_ =	shalt  }
0x45: {  	_ =	shalt  }
0x46: {  	_ =	shalt  }
0x47: {  	_ =	shalt  }
0x48: {  	_ =	shalt  }
0x49: {  	_ =	shalt  }
0x4a: {  	_ =	shalt  }
0x4b: {  	_ =	shalt  }
0x4c: {  	_ =	shalt  }
0x4d: {  	_ =	shalt  }
0x4e: {  	_ =	shalt  }
0x4f: {  	_ =	shalt  }
0x50: {  	_ =	shalt  }
0x51: {  	_ =	shalt  }
0x52: {  	_ =	shalt  }
0x53: {  	_ =	shalt  }
0x54: {  	_ =	shalt  }
0x55: {  	_ =	shalt  }
0x56: {  	_ =	shalt  }
0x57: {  	_ =	shalt  }
0x58: {  	_ =	shalt  }
0x59: {  	_ =	shalt  }
0x5a: {  	_ =	shalt  }
0x5b: {  	_ =	shalt  }
0x5c: {  	_ =	shalt  }
0x5d: {  	_ =	shalt  }
0x5e: {  	_ =	shalt  }
0x5f: {  	_ =	shalt  }
0x60: {  	_ =	shalt  }
0x61: {  	_ =	shalt  }
0x62: {  	_ =	shalt  }
0x63: {  	_ =	shalt  }
0x64: {  	_ =	shalt  }
0x65: {  	_ =	shalt  }
0x66: {  	_ =	shalt  }
0x67: {  	_ =	shalt  }
0x68: {  	_ =	shalt  }
0x69: {  	_ =	shalt  }
0x6a: {  	_ =	shalt  }
0x6b: {  	_ =	shalt  }
0x6c: {  	_ =	shalt  }
0x6d: {  	_ =	shalt  }
0x6e: {  	_ =	shalt  }
0x6f: {  	_ =	shalt  }
0x70: {  	_ =	shalt  }
0x71: {  	_ =	shalt  }
0x72: {  	_ =	shalt  }
0x73: {  	_ =	shalt  }
0x74: {  	_ =	shalt  }
0x75: {  	_ =	shalt  }
0x76: {  	_ =	shalt  }
0x77: {  	_ =	shalt  }
0x78: {  	_ =	shalt  }
0x79: {  	_ =	shalt  }
0x7a: {  	_ =	shalt  }
0x7b: {  	_ =	shalt  }
0x7c: {  	_ =	shalt  }
0x7d: {  	_ =	shalt  }
0x7e: {  	_ =	shalt  }
0x7f: {  	_ =	shalt  }
0x80: {  	_ =	shalt  }
0x81: {  	_ =	shalt  }
0x82: {  	_ =	shalt  }
0x83: {  	_ =	shalt  }
0x84: {  	_ =	shalt  }
0x85: {  	_ =	shalt  }
0x86: {  	_ =	shalt  }
0x87: {  	_ =	shalt  }
.Lfunc_end0:
.L_simem_size_0:
called_computation.3_lowered:
.L_overlay_start_0:
0x88: {  	s2 =	sld [smem:$0x3FD9]  }
0x89: {  	s3 =	sld [smem:$0x3FFE];
	_ =	sdelay $0x1  }
0x8a: {  	s1 =	srdreg.scid  }
0x8b: {  	s0 =	sand.u32 $0x1, s1  }
0x8c: {  	s17 =	sshll.u32 s0, $0xA;
	s2 =	sadd.s32 s3, s2  }
0x8d: {  	s2 =	sadd.s32 s2, s17  }
0x8e: {  	[smem:$0x3FBE] =	sst s2  }
0x8f: {  	_ = 	snop  }
0x90: {  	s2 =	sld [smem:$0x3FD0];
	(tm) =	ssettm $0x1  }
0x91: {  	s18 =	sld [smem:$0x3FFB];
	_ =	sdelay $0x3  }
0x92: {  	_ =	strace s18  }
0x93: {  	s3 =	sld [smem:$0x3FFC];
	_ =	sdelay $0x3  }
0x94: {  	_ =	strace s3  }
0x95: {  	s3 =	sld [smem:$0x3FFD];
	_ =	sdelay $0x3  }
0x96: {  	_ =	strace s3  }
0x97: {  	_ =	strace $0x8FFFFFFF  }
0x98: {  	s19 =	sld [smem:$0x3FDB];
	_ =	sdelay $0x1  }
0x99: {  	s4 =	simm.s32 $_scs_section_size  }
0x9a: {  	s5 =	simm.s32 $_size__tile_overlayer_lowered;
	s6 =	simm.s32 $_tile_overlayer_lowered  }
0x9b: {  	s22 =	simm.s32 $0x1BFF;
	s21 =	sshll.u32 s6, $0x1;
	s3 =	sadd.s32 s4, s19  }
0x9c: {  	s7 =	simm.s32 $0x0;
	s20 =	sshll.u32 s5, $0x1;
	s5 =	sadd.s32 s21, s3  }
0x9d: {  	[timem:s7], [sflag:s22] =	dma.local [hbm:s5], s20  }
0x9e: {  	_ =	swait.ge [sflag:s22], s20  }
0x9f: {  	s4 =	ssub.s32 $0x0, s20;
	[sflag:s22] =	ssyncset.done $0x0  }
0xa0: {  	[sflag:s22] =	ssyncadd.s32 s4;
	_ =	sdelay $0x1  }
0xa1: {  	s23 =	simm.s32 $0x1B8B  }
0xa2: {  	_ =	swait.ge [sflag:s23], $0x1  }
0xa3: {  	[sflag:s23] =	ssyncset.done $0x0  }
0xa4: {  	s25 =	simm.s32 $0x1B8E;
	s24 =	sld [smem:$0x3FFE];
	[sflag:s23] =	ssyncadd.s32 $0xFFFFFFFF  }
0xa5: {  	s26 =	simm.s32 $execute0_lowered;
	[smem:$0x3FD2] =	sst s25  }
0xa6: {  	s5 =	sshll.u32 s26, $0x1;
	_ =	strace $0x8000004F;
	[dreg:$0x1] =	wrdreg $0xFFFFFFFF  }
0xa7: {  	s28 =	simm.s32 $_size_execute0_lowered;
	s3 =	sadd.s32 s3, s5;
	[dreg:$0x0] =	wrdreg $0x0  }
0xa8: {  	s5 =	sshll.u32 s28, $0x1;
	[dreg:$0x2] =	wrdreg s3  }
0xa9: {  	[dreg:$0x3] =	wrdreg s5  }
0xaa: {  	[dreg:$0x4] =	wrdreg $0xC0  }
0xab: {  	_ =	task [dreg:s7], $0x5FFFF  }
0xac: {  	[dreg:$0x1] =	wrdreg $0xFFFFFFFF  }
0xad: {  	[dreg:$0x0] =	wrdreg $0x60  }
0xae: {  	[dreg:$0x2] =	wrdreg s2  }
0xaf: {  	[dreg:$0x3] =	wrdreg s24  }
0xb0: {  	[dreg:$0x4] =	wrdreg $0x42680  }
0xb1: {  	[dreg:$0x5] =	wrdreg $0x9  }
0xb2: {  	_ =	task.clear_ibuf [dreg:s7], $0x6FFFF;
	_ =	strace $0x9000004F  }
0xb3: {  	s29 =	simm.s32 $0x9;
	_ =	strace $0x80000051  }
0xb4: {  	_ =	swait.ge [sflag:s29], $0x1  }
0xb5: {  	[sflag:s29] =	ssyncadd.s32 $0xFFFFFFFF  }
0xb6: {  	_ =	strace $0x90000051  }
0xb7: {  	_ =	sfence  }
0xb8: {  	s30 =	sld [smem:$0x0];
	_ =	sdelay $0x2  }
0xb9: {  	s31 =	sshll.u32 s1, $0xD;
	s1 =	sshrl.u32 s1, $0x2  }
0xba: {  	s3 =	sand.u32 $0x4000, s31;
	s1 =	sadd.s32 s1, s30  }
0xbb: {  	s0 =	sor.u32 s3, s0;
	s1 =	sshll.u32 s1, $0x11  }
0xbc: {  	s0 =	sor.u32 s1, s0  }
0xbd: {  	s0 =	sadd.s32 $0x8F2B, s0  }
0xbe: {  	[sflag:s0] =	ssyncadd.remote.s32 $0x1  }
0xbf: {  	_ =	sfence.sel $0xFFFF  }
0xc0: {  	[dreg:$0x0] =	wrdreg $0xFFFFFFFF;
	(pc) =	sbr.abs _section_cstart, $3  }
0xc1: {  	[dreg:$0x1] =	wrdreg $0xFFFFFFFF  }
0xc2: {  	_ =	task.clear_ibuf [dreg:s7], $0x2FFFF;
	_ =	strace $0x9FFFFFFF  }
0xc3: {  	(tm) =	ssettm $0x7FFFFFFF  }
tec
execute0_lowered:
.L_overlay_start_1:
0x0: {  	(tag) =	ssettag $0x1  }
0x1: {  	s17 =	rddreg [dreg:$0x0]  }
0x2: {  	s19 =	rddreg [dreg:$0x1]  }
0x3: {  	s2 =	rddreg [dreg:$0x2];
	s1 =	stileid.u32  }
0x4: {  	s0 =	rddreg [dreg:$0x3];
	s3 =	simm.s32 $0x0;
	s4 =	srdreg.scid  }
0x5: {  	s20 =	smul.u32 $0x2710, s1;
	[smem:$0x7FF] =	sst s3  }
0x6: {  	s21 =	sand.u32 $0x1, s4;
	s26 =	sshll.u32 s1, $0x1;
	s28 =	sshll.u32 s1, $0x6  }
0x7: {  	_ =	strace $0x80000050;
	s5 =	sshrl.u32 s20, $0x3;
	s6 =	sadd.s32 s20, s2  }
0x8: {  	s9 =	sor.u32 s21, s26;
	s5 =	sadd.s32 s5, s19;
	s7 =	sshrl.u32 s6, $0x3  }
0x9: {  	s6 =	simm.s32 $0x1;
	s4 =	sadd.s32 $0x11600, s5;
	s5 =	sor.u32 $0x1C01, s28  }
0xa: {  	[spmem:s7], [sflag:s5] =	dma.local [hbm:s4], $0x4E2  }
0xb: {  	s22 =	smul.u32 $0x1388, s9;
	_ =	swait.ge [sflag:s6], $0x4E2  }
0xc: {  	[sflag:s6] =	ssyncset.done $0x0  }
0xd: {  	s8 =	sshrl.u32 s22, $0x3;
	[sflag:s6] =	ssyncadd.s32 $0xFFFFFB1E  }
0xe: {  	s8 =	sadd.s32 s17, s8;
	[bflag:$0x0] =	sbarrier.arrive $0xFFFF  }
0xf: {  	[tilespmem:s3], [sflag:$0x1] =	stream.linear.gather [hbm4b:s8+s3], $0x3E8, $0x38;
	[tilespmem:$0x6978] =	vst v63  }
0x10: {  	s9 =	smul.u32 $0x2710, s9;
	_ =	swait.ge [sflag:s6], $0x3E8  }
0x11: {  	s18 =	sadd.s32 $0x16600, s19;
	[sflag:s6] =	ssyncset.done $0x0  }
0x12: {  	s10 =	simm.s32 $0x3E8;
	s9 =	sadd.s32 s18, s9;
	[sflag:s6] =	ssyncadd.s32 $0xFFFFFC18  }
0x13: {  	[tilespmem:s10], [sflag:$0x1] =	stream.linear.gather [hbm4b:s9+s3], $0x3E80, $0x38;
	[tilespmem:$0x6978] =	vst v63  }
0x14: {  	_ =	swait.ge [sflag:s6], $0x3E80  }
0x15: {  	[sflag:s6] =	ssyncset.done $0x0  }
0x16: {  	[sflag:s6] =	ssyncadd.s32 $0xFFFFC180  }
0x17: {  	[spmem:s2] =	stream.indirect.scatter.add.f32 [tilespmem:s10], [sflag:$0x1], $0x10, s3, s10, $0xb8;
	[tilespmem:$0x6978] =	vst v63  }
0x18: {  	s12 =	sadd.s32 $0x3E8, s22;
	_ =	swait.ge [sflag:s6], $0x3E80  }
0x19: {  	s11 =	sshrl.u32 s12, $0x3;
	[sflag:s6] =	ssyncset.done $0x0  }
0x1a: {  	s11 =	sadd.s32 s17, s11;
	[sflag:s6] =	ssyncadd.s32 $0xFFFFC180  }
0x1b: {  	[tilespmem:s3], [sflag:$0x1] =	stream.linear.gather [hbm4b:s11+s3], $0x3E8, $0x38;
	[tilespmem:$0x6978] =	vst v63  }
0x1c: {  	_ =	swait.ge [sflag:s6], $0x3E8  }
0x1d: {  	s12 =	sshll.u32 s12, $0x1;
	[sflag:s6] =	ssyncset.done $0x0  }
0x1e: {  	s12 =	sadd.s32 s18, s12;
	[sflag:s6] =	ssyncadd.s32 $0xFFFFFC18  }
0x1f: {  	[tilespmem:s10], [sflag:$0x1] =	stream.linear.gather [hbm4b:s12+s3], $0x3E80, $0x38;
	[tilespmem:$0x6978] =	vst v63  }
0x20: {  	_ =	swait.ge [sflag:s6], $0x3E80  }
0x21: {  	[sflag:s6] =	ssyncset.done $0x0  }
0x22: {  	[sflag:s6] =	ssyncadd.s32 $0xFFFFC180  }
0x23: {  	[spmem:s2] =	stream.indirect.scatter.add.f32 [tilespmem:s10], [sflag:$0x1], $0x10, s3, s10, $0xb8;
	[tilespmem:$0x6978] =	vst v63  }
0x24: {  	s14 =	sadd.s32 $0x7D0, s22;
	_ =	swait.ge [sflag:s6], $0x3E80  }
0x25: {  	s13 =	sshrl.u32 s14, $0x3;
	[sflag:s6] =	ssyncset.done $0x0  }
0x26: {  	s13 =	sadd.s32 s17, s13;
	[sflag:s6] =	ssyncadd.s32 $0xFFFFC180  }
0x27: {  	[tilespmem:s3], [sflag:$0x1] =	stream.linear.gather [hbm4b:s13+s3], $0x3E8, $0x38;
	[tilespmem:$0x6978] =	vst v63  }
0x28: {  	_ =	swait.ge [sflag:s6], $0x3E8  }
0x29: {  	s14 =	sshll.u32 s14, $0x1;
	[sflag:s6] =	ssyncset.done $0x0  }
0x2a: {  	s14 =	sadd.s32 s18, s14;
	[sflag:s6] =	ssyncadd.s32 $0xFFFFFC18  }
0x2b: {  	[tilespmem:s10], [sflag:$0x1] =	stream.linear.gather [hbm4b:s14+s3], $0x3E80, $0x38;
	[tilespmem:$0x6978] =	vst v63  }
0x2c: {  	_ =	swait.ge [sflag:s6], $0x3E80  }
0x2d: {  	[sflag:s6] =	ssyncset.done $0x0  }
0x2e: {  	[sflag:s6] =	ssyncadd.s32 $0xFFFFC180  }
0x2f: {  	[spmem:s2] =	stream.indirect.scatter.add.f32 [tilespmem:s10], [sflag:$0x1], $0x10, s3, s10, $0xb8;
	[tilespmem:$0x6978] =	vst v63  }
0x30: {  	s16 =	sadd.s32 $0xBB8, s22;
	_ =	swait.ge [sflag:s6], $0x3E80  }
0x31: {  	s15 =	sshrl.u32 s16, $0x3;
	[sflag:s6] =	ssyncset.done $0x0  }
0x32: {  	s15 =	sadd.s32 s17, s15;
	[sflag:s6] =	ssyncadd.s32 $0xFFFFC180  }
0x33: {  	[tilespmem:s3], [sflag:$0x1] =	stream.linear.gather [hbm4b:s15+s3], $0x3E8, $0x38;
	[tilespmem:$0x6978] =	vst v63  }
0x34: {  	_ =	swait.ge [sflag:s6], $0x3E8  }
0x35: {  	s16 =	sshll.u32 s16, $0x1;
	[sflag:s6] =	ssyncset.done $0x0  }
0x36: {  	s16 =	sadd.s32 s18, s16;
	[sflag:s6] =	ssyncadd.s32 $0xFFFFFC18  }
0x37: {  	[tilespmem:s10], [sflag:$0x1] =	stream.linear.gather [hbm4b:s16+s3], $0x3E80, $0x38;
	[tilespmem:$0x6978] =	vst v63  }
0x38: {  	_ =	swait.ge [sflag:s6], $0x3E80  }
0x39: {  	[sflag:s6] =	ssyncset.done $0x0  }
0x3a: {  	[sflag:s6] =	ssyncadd.s32 $0xFFFFC180  }
0x3b: {  	[spmem:s2] =	stream.indirect.scatter.add.f32 [tilespmem:s10], [sflag:$0x1], $0x10, s3, s10, $0xb8;
	[tilespmem:$0x6978] =	vst v63  }
0x3c: {  	s22 =	sadd.s32 $0xFA0, s22;
	_ =	swait.ge [sflag:s6], $0x3E80  }
0x3d: {  	s23 =	sshrl.u32 s22, $0x3;
	[sflag:s6] =	ssyncset.done $0x0  }
0x3e: {  	s17 =	sadd.s32 s17, s23;
	[sflag:s6] =	ssyncadd.s32 $0xFFFFC180  }
0x3f: {  	[tilespmem:s3], [sflag:$0x1] =	stream.linear.gather [hbm4b:s17+s3], $0x3E8, $0x38;
	[tilespmem:$0x6978] =	vst v63  }
0x40: {  	_ =	swait.ge [sflag:s6], $0x3E8  }
0x41: {  	s22 =	sshll.u32 s22, $0x1;
	[sflag:s6] =	ssyncset.done $0x0  }
0x42: {  	s29 =	smul.u32 $0x27100, s21;
	s18 =	sadd.s32 s18, s22;
	[sflag:s6] =	ssyncadd.s32 $0xFFFFFC18  }
0x43: {  	[tilespmem:s10], [sflag:$0x1] =	stream.linear.gather [hbm4b:s18+s3], $0x3E80, $0x38;
	[tilespmem:$0x6978] =	vst v63  }
0x44: {  	s21 =	ssub.s32 $0x2, s21;
	_ =	swait.ge [sflag:s6], $0x3E80  }
0x45: {  	s30 =	sshrl.u32 s21, $0x1;
	s20 =	sadd.s32 s20, s29;
	[sflag:s6] =	ssyncset.done $0x0  }
0x46: {  	s31 =	ssub.s32 s21, s30;
	s20 =	sshrl.u32 s20, $0x3;
	[sflag:s6] =	ssyncadd.s32 $0xFFFFC180  }
0x47: {  	[spmem:s2] =	stream.indirect.scatter.add.f32 [tilespmem:s10], [sflag:$0x1], $0x10, s3, s10, $0xb8;
	[tilespmem:$0x6978] =	vst v63  }
0x48: {  	s19 =	sadd.s32 s20, s19;
	s20 =	smax.u32 s31, $0x1;
	_ =	swait.ge [sflag:s6], $0x3E80  }
0x49: {  	p0 =	sne.s32 s20, $0x1;
	[sflag:s6] =	ssyncset.done $0x0  }
.Ltmp0:
0x4a: {  	[sflag:s6] =	ssyncadd.s32 $0xFFFFC180;
	(pc) =	sbr.rel @!p0 .LBB2_2-.Ltmp0, $4  }
0x4b: {  	s19 =	sadd.s32 $0x2600, s19;
	[bflag:$0x0] =	sbarrier.arrive $0xFFFF  }
0x4c: {  	[hbm:s19], [sflag:s5] =	dma.local [spmem:s7], $0x4E2  }
0x4d: {  	_ =	swait.ge [sflag:s6], $0x4E2  }
0x4e: {  	s20 =	sadd.s32 $0xFFFFFFFF, s20;
	[sflag:s6] =	ssyncset.done $0x0  }
.LBB2_1:
0x4f: {  	p0 =	sne.s32 s20, $0x1;
	s20 =	sadd.s32 $0xFFFFFFFF, s20;
	[sflag:s6] =	ssyncadd.s32 $0xFFFFFB1E  }
0x50: {  	[spmem:s7], [sflag:s5] =	dma.local [hbm:s4], $0x4E2  }
0x51: {  	_ =	swait.ge [sflag:s6], $0x4E2  }
0x52: {  	[sflag:s6] =	ssyncset.done $0x0  }
0x53: {  	[sflag:s6] =	ssyncadd.s32 $0xFFFFFB1E  }
0x54: {  	[bflag:$0x0] =	sbarrier.arrive $0xFFFF  }
0x55: {  	[tilespmem:s3], [sflag:$0x1] =	stream.linear.gather [hbm4b:s8+s3], $0x3E8, $0x38;
	[tilespmem:$0x6978] =	vst v63  }
0x56: {  	_ =	swait.ge [sflag:s6], $0x3E8  }
0x57: {  	[sflag:s6] =	ssyncset.done $0x0  }
0x58: {  	[sflag:s6] =	ssyncadd.s32 $0xFFFFFC18  }
0x59: {  	[tilespmem:s10], [sflag:$0x1] =	stream.linear.gather [hbm4b:s9+s3], $0x3E80, $0x38;
	[tilespmem:$0x6978] =	vst v63  }
0x5a: {  	_ =	swait.ge [sflag:s6], $0x3E80  }
0x5b: {  	[sflag:s6] =	ssyncset.done $0x0  }
0x5c: {  	[sflag:s6] =	ssyncadd.s32 $0xFFFFC180  }
0x5d: {  	[spmem:s2] =	stream.indirect.scatter.add.f32 [tilespmem:s10], [sflag:$0x1], $0x10, s3, s10, $0xb8;
	[tilespmem:$0x6978] =	vst v63  }
0x5e: {  	_ =	swait.ge [sflag:s6], $0x3E80  }
0x5f: {  	[sflag:s6] =	ssyncset.done $0x0  }
0x60: {  	[sflag:s6] =	ssyncadd.s32 $0xFFFFC180  }
0x61: {  	[tilespmem:s3], [sflag:$0x1] =	stream.linear.gather [hbm4b:s11+s3], $0x3E8, $0x38;
	[tilespmem:$0x6978] =	vst v63  }
0x62: {  	_ =	swait.ge [sflag:s6], $0x3E8  }
0x63: {  	[sflag:s6] =	ssyncset.done $0x0  }
0x64: {  	[sflag:s6] =	ssyncadd.s32 $0xFFFFFC18  }
0x65: {  	[tilespmem:s10], [sflag:$0x1] =	stream.linear.gather [hbm4b:s12+s3], $0x3E80, $0x38;
	[tilespmem:$0x6978] =	vst v63  }
0x66: {  	_ =	swait.ge [sflag:s6], $0x3E80  }
0x67: {  	[sflag:s6] =	ssyncset.done $0x0  }
0x68: {  	[sflag:s6] =	ssyncadd.s32 $0xFFFFC180  }
0x69: {  	[spmem:s2] =	stream.indirect.scatter.add.f32 [tilespmem:s10], [sflag:$0x1], $0x10, s3, s10, $0xb8;
	[tilespmem:$0x6978] =	vst v63  }
0x6a: {  	_ =	swait.ge [sflag:s6], $0x3E80  }
0x6b: {  	[sflag:s6] =	ssyncset.done $0x0  }
0x6c: {  	[sflag:s6] =	ssyncadd.s32 $0xFFFFC180  }
0x6d: {  	[tilespmem:s3], [sflag:$0x1] =	stream.linear.gather [hbm4b:s13+s3], $0x3E8, $0x38;
	[tilespmem:$0x6978] =	vst v63  }
0x6e: {  	_ =	swait.ge [sflag:s6], $0x3E8  }
0x6f: {  	[sflag:s6] =	ssyncset.done $0x0  }
0x70: {  	[sflag:s6] =	ssyncadd.s32 $0xFFFFFC18  }
0x71: {  	[tilespmem:s10], [sflag:$0x1] =	stream.linear.gather [hbm4b:s14+s3], $0x3E80, $0x38;
	[tilespmem:$0x6978] =	vst v63  }
0x72: {  	_ =	swait.ge [sflag:s6], $0x3E80  }
0x73: {  	[sflag:s6] =	ssyncset.done $0x0  }
0x74: {  	[sflag:s6] =	ssyncadd.s32 $0xFFFFC180  }
0x75: {  	[spmem:s2] =	stream.indirect.scatter.add.f32 [tilespmem:s10], [sflag:$0x1], $0x10, s3, s10, $0xb8;
	[tilespmem:$0x6978] =	vst v63  }
0x76: {  	_ =	swait.ge [sflag:s6], $0x3E80  }
0x77: {  	[sflag:s6] =	ssyncset.done $0x0  }
0x78: {  	[sflag:s6] =	ssyncadd.s32 $0xFFFFC180  }
0x79: {  	[tilespmem:s3], [sflag:$0x1] =	stream.linear.gather [hbm4b:s15+s3], $0x3E8, $0x38;
	[tilespmem:$0x6978] =	vst v63  }
0x7a: {  	_ =	swait.ge [sflag:s6], $0x3E8  }
0x7b: {  	[sflag:s6] =	ssyncset.done $0x0  }
0x7c: {  	[sflag:s6] =	ssyncadd.s32 $0xFFFFFC18  }
0x7d: {  	[tilespmem:s10], [sflag:$0x1] =	stream.linear.gather [hbm4b:s16+s3], $0x3E80, $0x38;
	[tilespmem:$0x6978] =	vst v63  }
0x7e: {  	_ =	swait.ge [sflag:s6], $0x3E80  }
0x7f: {  	[sflag:s6] =	ssyncset.done $0x0  }
0x80: {  	[sflag:s6] =	ssyncadd.s32 $0xFFFFC180  }
0x81: {  	[spmem:s2] =	stream.indirect.scatter.add.f32 [tilespmem:s10], [sflag:$0x1], $0x10, s3, s10, $0xb8;
	[tilespmem:$0x6978] =	vst v63  }
0x82: {  	_ =	swait.ge [sflag:s6], $0x3E80  }
0x83: {  	[sflag:s6] =	ssyncset.done $0x0  }
0x84: {  	[sflag:s6] =	ssyncadd.s32 $0xFFFFC180  }
0x85: {  	[tilespmem:s3], [sflag:$0x1] =	stream.linear.gather [hbm4b:s17+s3], $0x3E8, $0x38;
	[tilespmem:$0x6978] =	vst v63  }
0x86: {  	_ =	swait.ge [sflag:s6], $0x3E8  }
0x87: {  	[sflag:s6] =	ssyncset.done $0x0  }
0x88: {  	[sflag:s6] =	ssyncadd.s32 $0xFFFFFC18  }
0x89: {  	[tilespmem:s10], [sflag:$0x1] =	stream.linear.gather [hbm4b:s18+s3], $0x3E80, $0x38;
	[tilespmem:$0x6978] =	vst v63  }
0x8a: {  	_ =	swait.ge [sflag:s6], $0x3E80  }
0x8b: {  	[sflag:s6] =	ssyncset.done $0x0  }
0x8c: {  	[sflag:s6] =	ssyncadd.s32 $0xFFFFC180  }
0x8d: {  	[spmem:s2] =	stream.indirect.scatter.add.f32 [tilespmem:s10], [sflag:$0x1], $0x10, s3, s10, $0xb8;
	[tilespmem:$0x6978] =	vst v63  }
0x8e: {  	_ =	swait.ge [sflag:s6], $0x3E80  }
0x8f: {  	[sflag:s6] =	ssyncset.done $0x0  }
.Ltmp1:
0x90: {  	[sflag:s6] =	ssyncadd.s32 $0xFFFFC180;
	(pc) =	sbr.rel @p0 .LBB2_1-.Ltmp1, $4  }
0x91: {  	[bflag:$0x0] =	sbarrier.arrive $0xFFFF  }
0x92: {  	[hbm:s19], [sflag:s5] =	dma.local [spmem:s7], $0x4E2  }
0x93: {  	_ =	swait.ge [sflag:s6], $0x4E2  }
0x94: {  	[sflag:s6] =	ssyncset.done $0x0  }
.LBB2_2:
0x95: {  	[sflag:s6] =	ssyncadd.s32 $0xFFFFFB1E  }
0x96: {  	_ =	sfence.sel $0x180000  }
0x97: {  	[bflag:$0x0] =	sbarrier.arrive $0xFFFF  }
0x98: {  	p0 =	sne.s32 s1, $0x0;
	_ =	strace $0x90000050  }
0x99: {  	s0 =	sadd.s32 @!p0 $0x100000, s0;
	[bflag:$0x2] =	sbarrier.arrive $0xFFFF  }
0x9a: {  	[sflag:s0] =	ssyncadd.tile.s32 @!p0 $0x1;
	_ =	shalt  }
.Lfunc_end2:
_tile_overlayer_lowered:
.L_overlay_start_2:
0x9b: {  	(tag) =	ssettag $0x2  }
0x9c: {  	s0 =	rddreg [dreg:$0x0];
	s2 =	stileid.u32  }
0x9d: {  	s1 =	rddreg [dreg:$0x1];
	p0 =	sne.s32 s2, $0x0  }
0x9e: {  	s3 =	rddreg [dreg:$0x2];
	[bflag:$0x3] =	sbarrier.arrive $0xFFFF;
	s2 =	simm.s32 @!p0 $0x1C01  }
0x9f: {  	[timem:s3], [sflag:s2] =	dma.local @!p0 [hbm:s0], s1  }
0xa0: {  	s0 =	simm.s32 @!p0 $0x1  }
0xa1: {  	_ =	swait.ge @!p0 [sflag:s0], s1  }
0xa2: {  	s1 =	ssub.s32 @!p0 $0x0, s1;
	[sflag:s0] =	ssyncset.done @!p0 $0x0  }
0xa3: {  	[sflag:s0] =	ssyncadd.s32 @!p0 s1  }
0xa4: {  	[bflag:$0x3] =	sbarrier.arrive $0xFFFF  }
0xa5: {  	_ =	shalt  }

</sc_bundles>
